<compile_context>
chip_gen: v7x
topology: tpu7x:2x2x1
jax: 0.10.2.dev20260603
libtpu: 0.0.44.dev20260713+nightly
codegen_flags: <defaults>
</compile_context>

<pallas_src>
import functools

import jax
import jax.numpy as jnp
from jax import lax
from jax.experimental import pallas as pl
from jax.experimental.pallas import tpu as pltpu
from jax.experimental.pallas import tpu_sc as plsc

_F = 26
_V = 100000
_D = 32
_B = 16384
_NC = 13
_R = _F * _D + _NC

_NWORKERS = 32
_CHUNK = 4096
_NCHUNK = _B // _CHUNK


def _emb_body(xt_hbm, tab_hbm, out_hbm, trow, xrow, ob0, ob1, sem, sw0, sw1):
    cid = lax.axis_index("c")
    sid = lax.axis_index("s")
    wid = sid * 2 + cid
    start = wid * 26 + jnp.minimum(wid, 13)
    cnt = 26 + jnp.where(wid < 13, 1, 0)
    obufs = (ob0, ob1)
    swsems = (sw0, sw1)

    def row_body(i, carry):
        r = start + i
        is_emb = r < _F * _D
        f = r >> 5
        xid = jnp.where(is_emb, f, r - _F * _D + _F)
        need_x = jnp.logical_or(
            jnp.logical_or(i == 0, lax.rem(r, _D) == 0),
            jnp.logical_not(is_emb),
        )

        @pl.when(need_x)
        def _():
            pltpu.async_copy(xt_hbm.at[xid], xrow, sem).wait()

        @pl.when(is_emb)
        def _():
            e = r & (_D - 1)
            pltpu.async_copy(tab_hbm.at[f, e], trow, sem).wait()

        for c2 in range(_NCHUNK):
            ob = obufs[c2 % 2]
            sw = swsems[c2 % 2]
            drain = pltpu.make_async_copy(
                ob, out_hbm.at[r, pl.ds(c2 * _CHUNK, _CHUNK)], sw
            )
            if c2 >= 2:
                drain.wait()
            else:
                @pl.when(i > 0)
                def _(d=drain):
                    d.wait()

            base = c2 * _CHUNK

            @pl.when(is_emb)
            def _(ob=ob, base=base):
                def gs(j, c):
                    v = xrow[pl.ds(base + j * 16, 16)]
                    ob[pl.ds(j * 16, 16)] = plsc.load_gather(trow, [v])
                    return c

                lax.fori_loop(0, _CHUNK // 16, gs, 0)

            @pl.when(jnp.logical_not(is_emb))
            def _(ob=ob, base=base):
                def cs(j, c):
                    v = xrow[pl.ds(base + j * 16, 16)]
                    ob[pl.ds(j * 16, 16)] = v.astype(jnp.float32)
                    return c

                lax.fori_loop(0, _CHUNK // 16, cs, 0)

            pltpu.async_copy(
                ob, out_hbm.at[r, pl.ds(c2 * _CHUNK, _CHUNK)], sw
            )
        return carry

    lax.fori_loop(0, cnt, row_body, 0)

    r_last = start + cnt - 1
    for c2 in (2, 3):
        pltpu.make_async_copy(
            obufs[c2 % 2],
            out_hbm.at[r_last, pl.ds(c2 * _CHUNK, _CHUNK)],
            swsems[c2 % 2],
        ).wait()


@jax.jit
def _emb_call(xt, tabt):
    mesh = plsc.VectorSubcoreMesh(core_axis_name="c", subcore_axis_name="s")
    run = functools.partial(
        pl.kernel,
        mesh=mesh,
        out_type=jax.ShapeDtypeStruct((_R, _B), jnp.float32),
        scratch_types=[
            pltpu.VMEM((_V,), jnp.float32),
            pltpu.VMEM((_B,), jnp.int32),
            pltpu.VMEM((_CHUNK,), jnp.float32),
            pltpu.VMEM((_CHUNK,), jnp.float32),
            pltpu.SemaphoreType.DMA,
            pltpu.SemaphoreType.DMA,
            pltpu.SemaphoreType.DMA,
        ],
        compiler_params=pltpu.CompilerParams(
            use_tc_tiling_on_sc=False, needs_layout_passes=False
        ),
    )(_emb_body)
    return run(xt, tabt)


def kernel(X, tables):
    xt = X.astype(jnp.int32).T
    tabt = tables.transpose(0, 2, 1)
    return _emb_call(xt, tabt).T

# --- scband reference (transcript-rebuilt; emitter-appended) ---
"""Pipeline reference for scband-embedding-layer-78563541778770 (READ-ONLY COPY).

The authoritative reference and input builder live on the scoring server;
editing this copy changes nothing except your own understanding.
"""

import jax, jax.numpy as jnp
import numpy as np

NUM_FIELDS = 26
VOCAB = 100000
EMBED_DIM = 32
BATCH = 16384
NUM_CONT = 13

def setup_inputs(seed: int = 0) -> dict:
    key = jax.random.key(seed)
    k1, k2 = jax.random.split(key)
    X = jax.random.randint(k1, (BATCH, NUM_FIELDS + NUM_CONT), 0, VOCAB, dtype=jnp.int64)
    # One embedding table per sparse field (all same shape -> stacked [F, V, D])
    tables = jax.random.normal(k2, (NUM_FIELDS, VOCAB, EMBED_DIM), dtype=jnp.float32)
    return {"X": X, "tables": tables}

def reference(X, tables):
    # sparse fields occupy columns 0..25 per deep_col_idx
    parts = [jnp.take(tables[f], X[:, f], axis=0) for f in range(NUM_FIELDS)]
    x = jnp.concatenate(parts, axis=1)  # [B, 26*32]
    # embed_dropout with p=0 is identity
    # continuous cols occupy columns 26..38
    x_cont = X[:, NUM_FIELDS:NUM_FIELDS + NUM_CONT].astype(jnp.float32)
    x = jnp.concatenate([x, x_cont], axis=1)  # [B, 845]
    return x

if __name__ == "__main__":
    import jax
    _d = setup_inputs()
    print(jax.jit(kernel)(*tuple(_d.values())))

</pallas_src>

<mosaic_0001>
#map = affine_map<(d0, d1) -> (0, 0)>
#map1 = affine_map<(d0, d1) -> (0, 0, 0)>
module attributes {stable_mosaic.version = 14 : i64} {
  func.func @_emb_body(%arg0: i32, %arg1: i32, %arg2: memref<39x16384xi32, #tpu.memory_space<hbm>>, %arg3: memref<26x32x100000xf32, #tpu.memory_space<hbm>>, %arg4: memref<845x16384xf32, #tpu.memory_space<hbm>>, %arg5: memref<100000xf32, #tpu.memory_space<vmem>>, %arg6: memref<16384xi32, #tpu.memory_space<vmem>>, %arg7: memref<4096xf32, #tpu.memory_space<vmem>>, %arg8: memref<4096xf32, #tpu.memory_space<vmem>>, %arg9: memref<!tpu.dma_semaphore, #tpu.memory_space<semaphore_mem>>, %arg10: memref<!tpu.dma_semaphore, #tpu.memory_space<semaphore_mem>>, %arg11: memref<!tpu.dma_semaphore, #tpu.memory_space<semaphore_mem>>) attributes {dimension_semantics = [#tpu.dimension_semantics<core_parallel>, #tpu.dimension_semantics<subcore_parallel>], iteration_bounds = array<i64: 2, 16>, scalar_prefetch = 0 : i64, scratch_operands = 7 : i64, tpu.core_type = #tpu.core_type<sc_vector_subcore>, window_params = [{transform_indices = #map}, {transform_indices = #map1}, {transform_indices = #map}]} {
    %mul3A = arith.constant 2 : i32
    %mul3A_0 = arith.muli %arg1, %mul3A : i32
    %add3A = arith.addi %mul3A_0, %arg0 : i32
    %mul3A_1 = arith.constant 26 : i32
    %mul3A_2 = arith.muli %add3A, %mul3A_1 : i32
    %min3A = arith.constant 13 : i32
    %min3A_3 = arith.minsi %add3A, %min3A : i32
    %add3A_4 = arith.addi %mul3A_2, %min3A_3 : i32
    %lt3A = arith.constant 13 : i32
    %lt3A_5 = arith.cmpi slt, %add3A, %lt3A : i32
    %jit3A = arith.constant 1 : i32
    %jit3A_6 = arith.constant 0 : i32
    %select_n3A = arith.select %lt3A_5, %jit3A, %jit3A_6 : i32
    %add3A_7 = arith.constant 26 : i32
    %add3A_8 = arith.addi %add3A_7, %select_n3A : i32
    %while3A = arith.constant 0 : i32
    %while3A_9 = arith.constant 0 : i32
    %while3A_10 = arith.subi %add3A_8, %while3A_9 : i32
    %while3A_11 = arith.addi %while3A_9, %while3A_10 : i32
    %while3A_12 = arith.constant 1 : i32
    %while3A_13 = arith.divsi %while3A_10, %while3A_12 : i32
    %while3A_14 = arith.muli %while3A_13, %while3A_12 : i32
    %while3A_15 = arith.addi %while3A_9, %while3A_14 : i32
    %while3A_16 = arith.constant 1 : i32
    scf.for %while3A_31 = %while3A_9 to %while3A_15 step %while3A_16  : i32 {
      %add3A_32 = arith.addi %add3A_4, %while3A_31 : i32
      %lt3A_33 = arith.constant 832 : i32
      %lt3A_34 = arith.cmpi slt, %add3A_32, %lt3A_33 : i32
      %shift_right_arithmetic3A = arith.constant 5 : i32
      %shift_right_arithmetic3A_35 = arith.shrsi %add3A_32, %shift_right_arithmetic3A : i32
      %sub3A_36 = arith.constant 832 : i32
      %sub3A_37 = arith.subi %add3A_32, %sub3A_36 : i32
      %add3A_38 = arith.constant 26 : i32
      %add3A_39 = arith.addi %sub3A_37, %add3A_38 : i32
      %select_n3A_40 = arith.select %lt3A_34, %shift_right_arithmetic3A_35, %add3A_39 : i32
      %eq3A = arith.constant 0 : i32
      %eq3A_41 = arith.cmpi eq, %while3A_31, %eq3A : i32
      %rem3A = arith.constant 32 : i32
      %rem3A_42 = arith.remsi %add3A_32, %rem3A : i32
      %eq3A_43 = arith.constant 0 : i32
      %eq3A_44 = arith.cmpi eq, %rem3A_42, %eq3A_43 : i32
      %or3A = arith.ori %eq3A_41, %eq3A_44 : i1
      %not3A = arith.constant true
      %not3A_45 = arith.xori %lt3A_34, %not3A : i1
      %or3A_46 = arith.ori %or3A, %not3A_45 : i1
      %convert_element_type3A = arith.extui %or3A_46 : i1 to i32
      %cond3A = arith.constant 0 : i32
      %cond3A_47 = arith.cmpi ne, %convert_element_type3A, %cond3A : i32
      scf.if %cond3A_47 {
        %dma_start3A_127 = arith.constant 0 : i32
        %dma_start3A_128 = tpu.memref_slice %arg2[%select_n3A_40, %dma_start3A_127] : memref<39x16384xi32, #tpu.memory_space<hbm>> -> memref<1x16384xi32, #tpu.memory_space<hbm>>
        %dma_start3A_129 = tpu.memref_squeeze %dma_start3A_128 : memref<1x16384xi32, #tpu.memory_space<hbm>> -> memref<16384xi32, #tpu.memory_space<hbm>>
        %dma_start3A_130 = arith.constant 0 : i32
        %dma_start3A_131 = tpu.memref_slice %arg2[%select_n3A_40, %dma_start3A_130] : memref<39x16384xi32, #tpu.memory_space<hbm>> -> memref<1x16384xi32, #tpu.memory_space<hbm>>
        %dma_start3A_132 = tpu.memref_squeeze %dma_start3A_131 : memref<1x16384xi32, #tpu.memory_space<hbm>> -> memref<16384xi32, #tpu.memory_space<hbm>>
        tpu.enqueue_dma source(%dma_start3A_132 : memref<16384xi32, #tpu.memory_space<hbm>>) target(%arg6 : memref<16384xi32, #tpu.memory_space<vmem>>) target_semaphore(%arg9 : memref<!tpu.dma_semaphore, #tpu.memory_space<semaphore_mem>>)
        %dma_wait3A_133 = arith.constant 0 : i32
        %dma_wait3A_134 = tpu.memref_slice %arg2[%select_n3A_40, %dma_wait3A_133] : memref<39x16384xi32, #tpu.memory_space<hbm>> -> memref<1x16384xi32, #tpu.memory_space<hbm>>
        %dma_wait3A_135 = tpu.memref_squeeze %dma_wait3A_134 : memref<1x16384xi32, #tpu.memory_space<hbm>> -> memref<16384xi32, #tpu.memory_space<hbm>>
        %dma_wait3A_136 = arith.constant 0 : i32
        %dma_wait3A_137 = tpu.memref_slice %arg2[%select_n3A_40, %dma_wait3A_136] : memref<39x16384xi32, #tpu.memory_space<hbm>> -> memref<1x16384xi32, #tpu.memory_space<hbm>>
        %dma_wait3A_138 = tpu.memref_squeeze %dma_wait3A_137 : memref<1x16384xi32, #tpu.memory_space<hbm>> -> memref<16384xi32, #tpu.memory_space<hbm>>
        tpu.wait_dma2 semaphore(%arg9 : memref<!tpu.dma_semaphore, #tpu.memory_space<semaphore_mem>>) src(%dma_wait3A_138 : memref<16384xi32, #tpu.memory_space<hbm>>) dst(%arg6 : memref<16384xi32, #tpu.memory_space<vmem>>)
      } else {
      }
      %convert_element_type3A_48 = arith.extui %lt3A_34 : i1 to i32
      %cond3A_49 = arith.constant 0 : i32
      %cond3A_50 = arith.cmpi ne, %convert_element_type3A_48, %cond3A_49 : i32
      scf.if %cond3A_50 {
        %and3A = arith.constant 31 : i32
        %and3A_127 = arith.andi %add3A_32, %and3A : i32
        %dma_start3A_128 = arith.constant 0 : i32
        %dma_start3A_129 = tpu.memref_slice %arg3[%shift_right_arithmetic3A_35, %and3A_127, %dma_start3A_128] : memref<26x32x100000xf32, #tpu.memory_space<hbm>> -> memref<1x1x100000xf32, #tpu.memory_space<hbm>>
        %dma_start3A_130 = tpu.memref_squeeze %dma_start3A_129 : memref<1x1x100000xf32, #tpu.memory_space<hbm>> -> memref<100000xf32, #tpu.memory_space<hbm>>
        %dma_start3A_131 = arith.constant 0 : i32
        %dma_start3A_132 = tpu.memref_slice %arg3[%shift_right_arithmetic3A_35, %and3A_127, %dma_start3A_131] : memref<26x32x100000xf32, #tpu.memory_space<hbm>> -> memref<1x1x100000xf32, #tpu.memory_space<hbm>>
        %dma_start3A_133 = tpu.memref_squeeze %dma_start3A_132 : memref<1x1x100000xf32, #tpu.memory_space<hbm>> -> memref<100000xf32, #tpu.memory_space<hbm>>
        tpu.enqueue_dma source(%dma_start3A_133 : memref<100000xf32, #tpu.memory_space<hbm>>) target(%arg5 : memref<100000xf32, #tpu.memory_space<vmem>>) target_semaphore(%arg9 : memref<!tpu.dma_semaphore, #tpu.memory_space<semaphore_mem>>)
        %dma_wait3A_134 = arith.constant 0 : i32
        %dma_wait3A_135 = tpu.memref_slice %arg3[%shift_right_arithmetic3A_35, %and3A_127, %dma_wait3A_134] : memref<26x32x100000xf32, #tpu.memory_space<hbm>> -> memref<1x1x100000xf32, #tpu.memory_space<hbm>>
        %dma_wait3A_136 = tpu.memref_squeeze %dma_wait3A_135 : memref<1x1x100000xf32, #tpu.memory_space<hbm>> -> memref<100000xf32, #tpu.memory_space<hbm>>
        %dma_wait3A_137 = arith.constant 0 : i32
        %dma_wait3A_138 = tpu.memref_slice %arg3[%shift_right_arithmetic3A_35, %and3A_127, %dma_wait3A_137] : memref<26x32x100000xf32, #tpu.memory_space<hbm>> -> memref<1x1x100000xf32, #tpu.memory_space<hbm>>
        %dma_wait3A_139 = tpu.memref_squeeze %dma_wait3A_138 : memref<1x1x100000xf32, #tpu.memory_space<hbm>> -> memref<100000xf32, #tpu.memory_space<hbm>>
        tpu.wait_dma2 semaphore(%arg9 : memref<!tpu.dma_semaphore, #tpu.memory_space<semaphore_mem>>) src(%dma_wait3A_139 : memref<100000xf32, #tpu.memory_space<hbm>>) dst(%arg5 : memref<100000xf32, #tpu.memory_space<vmem>>)
      } else {
      }
      %gt3A = arith.constant 0 : i32
      %gt3A_51 = arith.cmpi sgt, %while3A_31, %gt3A : i32
      %convert_element_type3A_52 = arith.extui %gt3A_51 : i1 to i32
      %cond3A_53 = arith.constant 0 : i32
      %cond3A_54 = arith.cmpi ne, %convert_element_type3A_52, %cond3A_53 : i32
      scf.if %cond3A_54 {
        %dma_wait3A_127 = arith.constant 0 : i32
        %dma_wait3A_128 = tpu.memref_slice %arg4[%add3A_32, %dma_wait3A_127] : memref<845x16384xf32, #tpu.memory_space<hbm>> -> memref<1x4096xf32, #tpu.memory_space<hbm>>
        %dma_wait3A_129 = tpu.memref_squeeze %dma_wait3A_128 : memref<1x4096xf32, #tpu.memory_space<hbm>> -> memref<4096xf32, #tpu.memory_space<hbm>>
        %dma_wait3A_130 = arith.constant 0 : i32
        %dma_wait3A_131 = tpu.memref_slice %arg4[%add3A_32, %dma_wait3A_130] : memref<845x16384xf32, #tpu.memory_space<hbm>> -> memref<1x4096xf32, #tpu.memory_space<hbm>>
        %dma_wait3A_132 = tpu.memref_squeeze %dma_wait3A_131 : memref<1x4096xf32, #tpu.memory_space<hbm>> -> memref<4096xf32, #tpu.memory_space<hbm>>
        tpu.wait_dma2 semaphore(%arg10 : memref<!tpu.dma_semaphore, #tpu.memory_space<semaphore_mem>>) src(%arg7 : memref<4096xf32, #tpu.memory_space<vmem>>) dst(%dma_wait3A_132 : memref<4096xf32, #tpu.memory_space<hbm>>)
      } else {
      }
      %convert_element_type3A_55 = arith.extui %lt3A_34 : i1 to i32
      %cond3A_56 = arith.constant 0 : i32
      %cond3A_57 = arith.cmpi ne, %convert_element_type3A_55, %cond3A_56 : i32
      scf.if %cond3A_57 {
        %scan3A = arith.constant 0 : i32
        %scan3A_127 = arith.constant 0 : i32
        %scan3A_128 = arith.constant 256 : i32
        %scan3A_129 = arith.addi %scan3A_127, %scan3A_128 : i32
        %scan3A_130 = arith.constant 1 : i32
        scf.for %scan3A_132 = %scan3A_127 to %scan3A_129 step %scan3A_130  : i32 {
          %mul3A_133 = arith.constant 16 : i32
          %mul3A_134 = arith.muli %scan3A_132, %mul3A_133 : i32
          %add3A_135 = arith.constant 0 : i32
          %add3A_136 = arith.addi %add3A_135, %mul3A_134 : i32
          %get3A = arith.index_cast %add3A_136 : i32 to index
          %get3A_137 = tpu.vector_load %arg6[%get3A] {strides = array<i32>} : memref<16384xi32, #tpu.memory_space<vmem>>, vector<16xi32>,
          %gather3A = tpu.vector_load_idx %arg5[%get3A_137] : memref<100000xf32, #tpu.memory_space<vmem>>[vector<16xi32>], vector<16xf32>,
          %mul3A_138 = arith.constant 16 : i32
          %mul3A_139 = arith.muli %scan3A_132, %mul3A_138 : i32
          %swap3A = arith.index_cast %mul3A_139 : i32 to index
          %swap3A_140 = tpu.vector_load %arg7[%swap3A] {strides = array<i32>} : memref<4096xf32, #tpu.memory_space<vmem>>, vector<16xf32>,
          tpu.vector_store %arg7[%swap3A], %gather3A {strides = array<i32>} : memref<4096xf32, #tpu.memory_space<vmem>>, vector<16xf32>,
        }
        %scan3A_131 = arith.constant 256 : i32
      } else {
      }
      %not3A_58 = arith.constant true
      %not3A_59 = arith.xori %lt3A_34, %not3A_58 : i1
      %convert_element_type3A_60 = arith.extui %not3A_59 : i1 to i32
      %cond3A_61 = arith.constant 0 : i32
      %cond3A_62 = arith.cmpi ne, %convert_element_type3A_60, %cond3A_61 : i32
      scf.if %cond3A_62 {
        %scan3A = arith.constant 0 : i32
        %scan3A_127 = arith.constant 0 : i32
        %scan3A_128 = arith.constant 256 : i32
        %scan3A_129 = arith.addi %scan3A_127, %scan3A_128 : i32
        %scan3A_130 = arith.constant 1 : i32
        scf.for %scan3A_132 = %scan3A_127 to %scan3A_129 step %scan3A_130  : i32 {
          %mul3A_133 = arith.constant 16 : i32
          %mul3A_134 = arith.muli %scan3A_132, %mul3A_133 : i32
          %add3A_135 = arith.constant 0 : i32
          %add3A_136 = arith.addi %add3A_135, %mul3A_134 : i32
          %get3A = arith.index_cast %add3A_136 : i32 to index
          %get3A_137 = tpu.vector_load %arg6[%get3A] {strides = array<i32>} : memref<16384xi32, #tpu.memory_space<vmem>>, vector<16xi32>,
          %convert_element_type3A_138 = arith.sitofp %get3A_137 : vector<16xi32> to vector<16xf32>
          %mul3A_139 = arith.constant 16 : i32
          %mul3A_140 = arith.muli %scan3A_132, %mul3A_139 : i32
          %swap3A = arith.index_cast %mul3A_140 : i32 to index
          %swap3A_141 = tpu.vector_load %arg7[%swap3A] {strides = array<i32>} : memref<4096xf32, #tpu.memory_space<vmem>>, vector<16xf32>,
          tpu.vector_store %arg7[%swap3A], %convert_element_type3A_138 {strides = array<i32>} : memref<4096xf32, #tpu.memory_space<vmem>>, vector<16xf32>,
        }
        %scan3A_131 = arith.constant 256 : i32
      } else {
      }
      %dma_start3A = arith.constant 0 : i32
      %dma_start3A_63 = tpu.memref_slice %arg4[%add3A_32, %dma_start3A] : memref<845x16384xf32, #tpu.memory_space<hbm>> -> memref<1x4096xf32, #tpu.memory_space<hbm>>
      %dma_start3A_64 = tpu.memref_squeeze %dma_start3A_63 : memref<1x4096xf32, #tpu.memory_space<hbm>> -> memref<4096xf32, #tpu.memory_space<hbm>>
      %dma_start3A_65 = arith.constant 0 : i32
      %dma_start3A_66 = tpu.memref_slice %arg4[%add3A_32, %dma_start3A_65] : memref<845x16384xf32, #tpu.memory_space<hbm>> -> memref<1x4096xf32, #tpu.memory_space<hbm>>
      %dma_start3A_67 = tpu.memref_squeeze %dma_start3A_66 : memref<1x4096xf32, #tpu.memory_space<hbm>> -> memref<4096xf32, #tpu.memory_space<hbm>>
      tpu.enqueue_dma source(%arg7 : memref<4096xf32, #tpu.memory_space<vmem>>) target(%dma_start3A_67 : memref<4096xf32, #tpu.memory_space<hbm>>) target_semaphore(%arg10 : memref<!tpu.dma_semaphore, #tpu.memory_space<semaphore_mem>>)
      %gt3A_68 = arith.constant 0 : i32
      %gt3A_69 = arith.cmpi sgt, %while3A_31, %gt3A_68 : i32
      %convert_element_type3A_70 = arith.extui %gt3A_69 : i1 to i32
      %cond3A_71 = arith.constant 0 : i32
      %cond3A_72 = arith.cmpi ne, %convert_element_type3A_70, %cond3A_71 : i32
      scf.if %cond3A_72 {
        %dma_wait3A_127 = arith.constant 4096 : i32
        %dma_wait3A_128 = tpu.memref_slice %arg4[%add3A_32, %dma_wait3A_127] : memref<845x16384xf32, #tpu.memory_space<hbm>> -> memref<1x4096xf32, #tpu.memory_space<hbm>>
        %dma_wait3A_129 = tpu.memref_squeeze %dma_wait3A_128 : memref<1x4096xf32, #tpu.memory_space<hbm>> -> memref<4096xf32, #tpu.memory_space<hbm>>
        %dma_wait3A_130 = arith.constant 4096 : i32
        %dma_wait3A_131 = tpu.memref_slice %arg4[%add3A_32, %dma_wait3A_130] : memref<845x16384xf32, #tpu.memory_space<hbm>> -> memref<1x4096xf32, #tpu.memory_space<hbm>>
        %dma_wait3A_132 = tpu.memref_squeeze %dma_wait3A_131 : memref<1x4096xf32, #tpu.memory_space<hbm>> -> memref<4096xf32, #tpu.memory_space<hbm>>
        tpu.wait_dma2 semaphore(%arg11 : memref<!tpu.dma_semaphore, #tpu.memory_space<semaphore_mem>>) src(%arg8 : memref<4096xf32, #tpu.memory_space<vmem>>) dst(%dma_wait3A_132 : memref<4096xf32, #tpu.memory_space<hbm>>)
      } else {
      }
      %convert_element_type3A_73 = arith.extui %lt3A_34 : i1 to i32
      %cond3A_74 = arith.constant 0 : i32
      %cond3A_75 = arith.cmpi ne, %convert_element_type3A_73, %cond3A_74 : i32
      scf.if %cond3A_75 {
        %scan3A = arith.constant 0 : i32
        %scan3A_127 = arith.constant 0 : i32
        %scan3A_128 = arith.constant 256 : i32
        %scan3A_129 = arith.addi %scan3A_127, %scan3A_128 : i32
        %scan3A_130 = arith.constant 1 : i32
        scf.for %scan3A_132 = %scan3A_127 to %scan3A_129 step %scan3A_130  : i32 {
          %mul3A_133 = arith.constant 16 : i32
          %mul3A_134 = arith.muli %scan3A_132, %mul3A_133 : i32
          %add3A_135 = arith.constant 4096 : i32
          %add3A_136 = arith.addi %add3A_135, %mul3A_134 : i32
          %get3A = arith.index_cast %add3A_136 : i32 to index
          %get3A_137 = tpu.vector_load %arg6[%get3A] {strides = array<i32>} : memref<16384xi32, #tpu.memory_space<vmem>>, vector<16xi32>,
          %gather3A = tpu.vector_load_idx %arg5[%get3A_137] : memref<100000xf32, #tpu.memory_space<vmem>>[vector<16xi32>], vector<16xf32>,
          %mul3A_138 = arith.constant 16 : i32
          %mul3A_139 = arith.muli %scan3A_132, %mul3A_138 : i32
          %swap3A = arith.index_cast %mul3A_139 : i32 to index
          %swap3A_140 = tpu.vector_load %arg8[%swap3A] {strides = array<i32>} : memref<4096xf32, #tpu.memory_space<vmem>>, vector<16xf32>,
          tpu.vector_store %arg8[%swap3A], %gather3A {strides = array<i32>} : memref<4096xf32, #tpu.memory_space<vmem>>, vector<16xf32>,
        }
        %scan3A_131 = arith.constant 256 : i32
      } else {
      }
      %not3A_76 = arith.constant true
      %not3A_77 = arith.xori %lt3A_34, %not3A_76 : i1
      %convert_element_type3A_78 = arith.extui %not3A_77 : i1 to i32
      %cond3A_79 = arith.constant 0 : i32
      %cond3A_80 = arith.cmpi ne, %convert_element_type3A_78, %cond3A_79 : i32
      scf.if %cond3A_80 {
        %scan3A = arith.constant 0 : i32
        %scan3A_127 = arith.constant 0 : i32
        %scan3A_128 = arith.constant 256 : i32
        %scan3A_129 = arith.addi %scan3A_127, %scan3A_128 : i32
        %scan3A_130 = arith.constant 1 : i32
        scf.for %scan3A_132 = %scan3A_127 to %scan3A_129 step %scan3A_130  : i32 {
          %mul3A_133 = arith.constant 16 : i32
          %mul3A_134 = arith.muli %scan3A_132, %mul3A_133 : i32
          %add3A_135 = arith.constant 4096 : i32
          %add3A_136 = arith.addi %add3A_135, %mul3A_134 : i32
          %get3A = arith.index_cast %add3A_136 : i32 to index
          %get3A_137 = tpu.vector_load %arg6[%get3A] {strides = array<i32>} : memref<16384xi32, #tpu.memory_space<vmem>>, vector<16xi32>,
          %convert_element_type3A_138 = arith.sitofp %get3A_137 : vector<16xi32> to vector<16xf32>
          %mul3A_139 = arith.constant 16 : i32
          %mul3A_140 = arith.muli %scan3A_132, %mul3A_139 : i32
          %swap3A = arith.index_cast %mul3A_140 : i32 to index
          %swap3A_141 = tpu.vector_load %arg8[%swap3A] {strides = array<i32>} : memref<4096xf32, #tpu.memory_space<vmem>>, vector<16xf32>,
          tpu.vector_store %arg8[%swap3A], %convert_element_type3A_138 {strides = array<i32>} : memref<4096xf32, #tpu.memory_space<vmem>>, vector<16xf32>,
        }
        %scan3A_131 = arith.constant 256 : i32
      } else {
      }
      %dma_start3A_81 = arith.constant 4096 : i32
      %dma_start3A_82 = tpu.memref_slice %arg4[%add3A_32, %dma_start3A_81] : memref<845x16384xf32, #tpu.memory_space<hbm>> -> memref<1x4096xf32, #tpu.memory_space<hbm>>
      %dma_start3A_83 = tpu.memref_squeeze %dma_start3A_82 : memref<1x4096xf32, #tpu.memory_space<hbm>> -> memref<4096xf32, #tpu.memory_space<hbm>>
      %dma_start3A_84 = arith.constant 4096 : i32
      %dma_start3A_85 = tpu.memref_slice %arg4[%add3A_32, %dma_start3A_84] : memref<845x16384xf32, #tpu.memory_space<hbm>> -> memref<1x4096xf32, #tpu.memory_space<hbm>>
      %dma_start3A_86 = tpu.memref_squeeze %dma_start3A_85 : memref<1x4096xf32, #tpu.memory_space<hbm>> -> memref<4096xf32, #tpu.memory_space<hbm>>
      tpu.enqueue_dma source(%arg8 : memref<4096xf32, #tpu.memory_space<vmem>>) target(%dma_start3A_86 : memref<4096xf32, #tpu.memory_space<hbm>>) target_semaphore(%arg11 : memref<!tpu.dma_semaphore, #tpu.memory_space<semaphore_mem>>)
      %dma_wait3A_87 = arith.constant 8192 : i32
      %dma_wait3A_88 = tpu.memref_slice %arg4[%add3A_32, %dma_wait3A_87] : memref<845x16384xf32, #tpu.memory_space<hbm>> -> memref<1x4096xf32, #tpu.memory_space<hbm>>
      %dma_wait3A_89 = tpu.memref_squeeze %dma_wait3A_88 : memref<1x4096xf32, #tpu.memory_space<hbm>> -> memref<4096xf32, #tpu.memory_space<hbm>>
      %dma_wait3A_90 = arith.constant 8192 : i32
      %dma_wait3A_91 = tpu.memref_slice %arg4[%add3A_32, %dma_wait3A_90] : memref<845x16384xf32, #tpu.memory_space<hbm>> -> memref<1x4096xf32, #tpu.memory_space<hbm>>
      %dma_wait3A_92 = tpu.memref_squeeze %dma_wait3A_91 : memref<1x4096xf32, #tpu.memory_space<hbm>> -> memref<4096xf32, #tpu.memory_space<hbm>>
      tpu.wait_dma2 semaphore(%arg10 : memref<!tpu.dma_semaphore, #tpu.memory_space<semaphore_mem>>) src(%arg7 : memref<4096xf32, #tpu.memory_space<vmem>>) dst(%dma_wait3A_92 : memref<4096xf32, #tpu.memory_space<hbm>>)
      %convert_element_type3A_93 = arith.extui %lt3A_34 : i1 to i32
      %cond3A_94 = arith.constant 0 : i32
      %cond3A_95 = arith.cmpi ne, %convert_element_type3A_93, %cond3A_94 : i32
      scf.if %cond3A_95 {
        %scan3A = arith.constant 0 : i32
        %scan3A_127 = arith.constant 0 : i32
        %scan3A_128 = arith.constant 256 : i32
        %scan3A_129 = arith.addi %scan3A_127, %scan3A_128 : i32
        %scan3A_130 = arith.constant 1 : i32
        scf.for %scan3A_132 = %scan3A_127 to %scan3A_129 step %scan3A_130  : i32 {
          %mul3A_133 = arith.constant 16 : i32
          %mul3A_134 = arith.muli %scan3A_132, %mul3A_133 : i32
          %add3A_135 = arith.constant 8192 : i32
          %add3A_136 = arith.addi %add3A_135, %mul3A_134 : i32
          %get3A = arith.index_cast %add3A_136 : i32 to index
          %get3A_137 = tpu.vector_load %arg6[%get3A] {strides = array<i32>} : memref<16384xi32, #tpu.memory_space<vmem>>, vector<16xi32>,
          %gather3A = tpu.vector_load_idx %arg5[%get3A_137] : memref<100000xf32, #tpu.memory_space<vmem>>[vector<16xi32>], vector<16xf32>,
          %mul3A_138 = arith.constant 16 : i32
          %mul3A_139 = arith.muli %scan3A_132, %mul3A_138 : i32
          %swap3A = arith.index_cast %mul3A_139 : i32 to index
          %swap3A_140 = tpu.vector_load %arg7[%swap3A] {strides = array<i32>} : memref<4096xf32, #tpu.memory_space<vmem>>, vector<16xf32>,
          tpu.vector_store %arg7[%swap3A], %gather3A {strides = array<i32>} : memref<4096xf32, #tpu.memory_space<vmem>>, vector<16xf32>,
        }
        %scan3A_131 = arith.constant 256 : i32
      } else {
      }
      %not3A_96 = arith.constant true
      %not3A_97 = arith.xori %lt3A_34, %not3A_96 : i1
      %convert_element_type3A_98 = arith.extui %not3A_97 : i1 to i32
      %cond3A_99 = arith.constant 0 : i32
      %cond3A_100 = arith.cmpi ne, %convert_element_type3A_98, %cond3A_99 : i32
      scf.if %cond3A_100 {
        %scan3A = arith.constant 0 : i32
        %scan3A_127 = arith.constant 0 : i32
        %scan3A_128 = arith.constant 256 : i32
        %scan3A_129 = arith.addi %scan3A_127, %scan3A_128 : i32
        %scan3A_130 = arith.constant 1 : i32
        scf.for %scan3A_132 = %scan3A_127 to %scan3A_129 step %scan3A_130  : i32 {
          %mul3A_133 = arith.constant 16 : i32
          %mul3A_134 = arith.muli %scan3A_132, %mul3A_133 : i32
          %add3A_135 = arith.constant 8192 : i32
          %add3A_136 = arith.addi %add3A_135, %mul3A_134 : i32
          %get3A = arith.index_cast %add3A_136 : i32 to index
          %get3A_137 = tpu.vector_load %arg6[%get3A] {strides = array<i32>} : memref<16384xi32, #tpu.memory_space<vmem>>, vector<16xi32>,
          %convert_element_type3A_138 = arith.sitofp %get3A_137 : vector<16xi32> to vector<16xf32>
          %mul3A_139 = arith.constant 16 : i32
          %mul3A_140 = arith.muli %scan3A_132, %mul3A_139 : i32
          %swap3A = arith.index_cast %mul3A_140 : i32 to index
          %swap3A_141 = tpu.vector_load %arg7[%swap3A] {strides = array<i32>} : memref<4096xf32, #tpu.memory_space<vmem>>, vector<16xf32>,
          tpu.vector_store %arg7[%swap3A], %convert_element_type3A_138 {strides = array<i32>} : memref<4096xf32, #tpu.memory_space<vmem>>, vector<16xf32>,
        }
        %scan3A_131 = arith.constant 256 : i32
      } else {
      }
      %dma_start3A_101 = arith.constant 8192 : i32
      %dma_start3A_102 = tpu.memref_slice %arg4[%add3A_32, %dma_start3A_101] : memref<845x16384xf32, #tpu.memory_space<hbm>> -> memref<1x4096xf32, #tpu.memory_space<hbm>>
      %dma_start3A_103 = tpu.memref_squeeze %dma_start3A_102 : memref<1x4096xf32, #tpu.memory_space<hbm>> -> memref<4096xf32, #tpu.memory_space<hbm>>
      %dma_start3A_104 = arith.constant 8192 : i32
      %dma_start3A_105 = tpu.memref_slice %arg4[%add3A_32, %dma_start3A_104] : memref<845x16384xf32, #tpu.memory_space<hbm>> -> memref<1x4096xf32, #tpu.memory_space<hbm>>
      %dma_start3A_106 = tpu.memref_squeeze %dma_start3A_105 : memref<1x4096xf32, #tpu.memory_space<hbm>> -> memref<4096xf32, #tpu.memory_space<hbm>>
      tpu.enqueue_dma source(%arg7 : memref<4096xf32, #tpu.memory_space<vmem>>) target(%dma_start3A_106 : memref<4096xf32, #tpu.memory_space<hbm>>) target_semaphore(%arg10 : memref<!tpu.dma_semaphore, #tpu.memory_space<semaphore_mem>>)
      %dma_wait3A_107 = arith.constant 12288 : i32
      %dma_wait3A_108 = tpu.memref_slice %arg4[%add3A_32, %dma_wait3A_107] : memref<845x16384xf32, #tpu.memory_space<hbm>> -> memref<1x4096xf32, #tpu.memory_space<hbm>>
      %dma_wait3A_109 = tpu.memref_squeeze %dma_wait3A_108 : memref<1x4096xf32, #tpu.memory_space<hbm>> -> memref<4096xf32, #tpu.memory_space<hbm>>
      %dma_wait3A_110 = arith.constant 12288 : i32
      %dma_wait3A_111 = tpu.memref_slice %arg4[%add3A_32, %dma_wait3A_110] : memref<845x16384xf32, #tpu.memory_space<hbm>> -> memref<1x4096xf32, #tpu.memory_space<hbm>>
      %dma_wait3A_112 = tpu.memref_squeeze %dma_wait3A_111 : memref<1x4096xf32, #tpu.memory_space<hbm>> -> memref<4096xf32, #tpu.memory_space<hbm>>
      tpu.wait_dma2 semaphore(%arg11 : memref<!tpu.dma_semaphore, #tpu.memory_space<semaphore_mem>>) src(%arg8 : memref<4096xf32, #tpu.memory_space<vmem>>) dst(%dma_wait3A_112 : memref<4096xf32, #tpu.memory_space<hbm>>)
      %convert_element_type3A_113 = arith.extui %lt3A_34 : i1 to i32
      %cond3A_114 = arith.constant 0 : i32
      %cond3A_115 = arith.cmpi ne, %convert_element_type3A_113, %cond3A_114 : i32
      scf.if %cond3A_115 {
        %scan3A = arith.constant 0 : i32
        %scan3A_127 = arith.constant 0 : i32
        %scan3A_128 = arith.constant 256 : i32
        %scan3A_129 = arith.addi %scan3A_127, %scan3A_128 : i32
        %scan3A_130 = arith.constant 1 : i32
        scf.for %scan3A_132 = %scan3A_127 to %scan3A_129 step %scan3A_130  : i32 {
          %mul3A_133 = arith.constant 16 : i32
          %mul3A_134 = arith.muli %scan3A_132, %mul3A_133 : i32
          %add3A_135 = arith.constant 12288 : i32
          %add3A_136 = arith.addi %add3A_135, %mul3A_134 : i32
          %get3A = arith.index_cast %add3A_136 : i32 to index
          %get3A_137 = tpu.vector_load %arg6[%get3A] {strides = array<i32>} : memref<16384xi32, #tpu.memory_space<vmem>>, vector<16xi32>,
          %gather3A = tpu.vector_load_idx %arg5[%get3A_137] : memref<100000xf32, #tpu.memory_space<vmem>>[vector<16xi32>], vector<16xf32>,
          %mul3A_138 = arith.constant 16 : i32
          %mul3A_139 = arith.muli %scan3A_132, %mul3A_138 : i32
          %swap3A = arith.index_cast %mul3A_139 : i32 to index
          %swap3A_140 = tpu.vector_load %arg8[%swap3A] {strides = array<i32>} : memref<4096xf32, #tpu.memory_space<vmem>>, vector<16xf32>,
          tpu.vector_store %arg8[%swap3A], %gather3A {strides = array<i32>} : memref<4096xf32, #tpu.memory_space<vmem>>, vector<16xf32>,
        }
        %scan3A_131 = arith.constant 256 : i32
      } else {
      }
      %not3A_116 = arith.constant true
      %not3A_117 = arith.xori %lt3A_34, %not3A_116 : i1
      %convert_element_type3A_118 = arith.extui %not3A_117 : i1 to i32
      %cond3A_119 = arith.constant 0 : i32
      %cond3A_120 = arith.cmpi ne, %convert_element_type3A_118, %cond3A_119 : i32
      scf.if %cond3A_120 {
        %scan3A = arith.constant 0 : i32
        %scan3A_127 = arith.constant 0 : i32
        %scan3A_128 = arith.constant 256 : i32
        %scan3A_129 = arith.addi %scan3A_127, %scan3A_128 : i32
        %scan3A_130 = arith.constant 1 : i32
        scf.for %scan3A_132 = %scan3A_127 to %scan3A_129 step %scan3A_130  : i32 {
          %mul3A_133 = arith.constant 16 : i32
          %mul3A_134 = arith.muli %scan3A_132, %mul3A_133 : i32
          %add3A_135 = arith.constant 12288 : i32
          %add3A_136 = arith.addi %add3A_135, %mul3A_134 : i32
          %get3A = arith.index_cast %add3A_136 : i32 to index
          %get3A_137 = tpu.vector_load %arg6[%get3A] {strides = array<i32>} : memref<16384xi32, #tpu.memory_space<vmem>>, vector<16xi32>,
          %convert_element_type3A_138 = arith.sitofp %get3A_137 : vector<16xi32> to vector<16xf32>
          %mul3A_139 = arith.constant 16 : i32
          %mul3A_140 = arith.muli %scan3A_132, %mul3A_139 : i32
          %swap3A = arith.index_cast %mul3A_140 : i32 to index
          %swap3A_141 = tpu.vector_load %arg8[%swap3A] {strides = array<i32>} : memref<4096xf32, #tpu.memory_space<vmem>>, vector<16xf32>,
          tpu.vector_store %arg8[%swap3A], %convert_element_type3A_138 {strides = array<i32>} : memref<4096xf32, #tpu.memory_space<vmem>>, vector<16xf32>,
        }
        %scan3A_131 = arith.constant 256 : i32
      } else {
      }
      %dma_start3A_121 = arith.constant 12288 : i32
      %dma_start3A_122 = tpu.memref_slice %arg4[%add3A_32, %dma_start3A_121] : memref<845x16384xf32, #tpu.memory_space<hbm>> -> memref<1x4096xf32, #tpu.memory_space<hbm>>
      %dma_start3A_123 = tpu.memref_squeeze %dma_start3A_122 : memref<1x4096xf32, #tpu.memory_space<hbm>> -> memref<4096xf32, #tpu.memory_space<hbm>>
      %dma_start3A_124 = arith.constant 12288 : i32
      %dma_start3A_125 = tpu.memref_slice %arg4[%add3A_32, %dma_start3A_124] : memref<845x16384xf32, #tpu.memory_space<hbm>> -> memref<1x4096xf32, #tpu.memory_space<hbm>>
      %dma_start3A_126 = tpu.memref_squeeze %dma_start3A_125 : memref<1x4096xf32, #tpu.memory_space<hbm>> -> memref<4096xf32, #tpu.memory_space<hbm>>
      tpu.enqueue_dma source(%arg8 : memref<4096xf32, #tpu.memory_space<vmem>>) target(%dma_start3A_126 : memref<4096xf32, #tpu.memory_space<hbm>>) target_semaphore(%arg11 : memref<!tpu.dma_semaphore, #tpu.memory_space<semaphore_mem>>)
    }
    %while3A_17 = arith.constant 1 : i32
    scf.for %while3A_31 = %while3A_15 to %while3A_11 step %while3A_17  : i32 {
      %add3A_32 = arith.addi %add3A_4, %while3A_31 : i32
      %lt3A_33 = arith.constant 832 : i32
      %lt3A_34 = arith.cmpi slt, %add3A_32, %lt3A_33 : i32
      %shift_right_arithmetic3A = arith.constant 5 : i32
      %shift_right_arithmetic3A_35 = arith.shrsi %add3A_32, %shift_right_arithmetic3A : i32
      %sub3A_36 = arith.constant 832 : i32
      %sub3A_37 = arith.subi %add3A_32, %sub3A_36 : i32
      %add3A_38 = arith.constant 26 : i32
      %add3A_39 = arith.addi %sub3A_37, %add3A_38 : i32
      %select_n3A_40 = arith.select %lt3A_34, %shift_right_arithmetic3A_35, %add3A_39 : i32
      %eq3A = arith.constant 0 : i32
      %eq3A_41 = arith.cmpi eq, %while3A_31, %eq3A : i32
      %rem3A = arith.constant 32 : i32
      %rem3A_42 = arith.remsi %add3A_32, %rem3A : i32
      %eq3A_43 = arith.constant 0 : i32
      %eq3A_44 = arith.cmpi eq, %rem3A_42, %eq3A_43 : i32
      %or3A = arith.ori %eq3A_41, %eq3A_44 : i1
      %not3A = arith.constant true
      %not3A_45 = arith.xori %lt3A_34, %not3A : i1
      %or3A_46 = arith.ori %or3A, %not3A_45 : i1
      %convert_element_type3A = arith.extui %or3A_46 : i1 to i32
      %cond3A = arith.constant 0 : i32
      %cond3A_47 = arith.cmpi ne, %convert_element_type3A, %cond3A : i32
      scf.if %cond3A_47 {
        %dma_start3A_127 = arith.constant 0 : i32
        %dma_start3A_128 = tpu.memref_slice %arg2[%select_n3A_40, %dma_start3A_127] : memref<39x16384xi32, #tpu.memory_space<hbm>> -> memref<1x16384xi32, #tpu.memory_space<hbm>>
        %dma_start3A_129 = tpu.memref_squeeze %dma_start3A_128 : memref<1x16384xi32, #tpu.memory_space<hbm>> -> memref<16384xi32, #tpu.memory_space<hbm>>
        %dma_start3A_130 = arith.constant 0 : i32
        %dma_start3A_131 = tpu.memref_slice %arg2[%select_n3A_40, %dma_start3A_130] : memref<39x16384xi32, #tpu.memory_space<hbm>> -> memref<1x16384xi32, #tpu.memory_space<hbm>>
        %dma_start3A_132 = tpu.memref_squeeze %dma_start3A_131 : memref<1x16384xi32, #tpu.memory_space<hbm>> -> memref<16384xi32, #tpu.memory_space<hbm>>
        tpu.enqueue_dma source(%dma_start3A_132 : memref<16384xi32, #tpu.memory_space<hbm>>) target(%arg6 : memref<16384xi32, #tpu.memory_space<vmem>>) target_semaphore(%arg9 : memref<!tpu.dma_semaphore, #tpu.memory_space<semaphore_mem>>)
        %dma_wait3A_133 = arith.constant 0 : i32
        %dma_wait3A_134 = tpu.memref_slice %arg2[%select_n3A_40, %dma_wait3A_133] : memref<39x16384xi32, #tpu.memory_space<hbm>> -> memref<1x16384xi32, #tpu.memory_space<hbm>>
        %dma_wait3A_135 = tpu.memref_squeeze %dma_wait3A_134 : memref<1x16384xi32, #tpu.memory_space<hbm>> -> memref<16384xi32, #tpu.memory_space<hbm>>
        %dma_wait3A_136 = arith.constant 0 : i32
        %dma_wait3A_137 = tpu.memref_slice %arg2[%select_n3A_40, %dma_wait3A_136] : memref<39x16384xi32, #tpu.memory_space<hbm>> -> memref<1x16384xi32, #tpu.memory_space<hbm>>
        %dma_wait3A_138 = tpu.memref_squeeze %dma_wait3A_137 : memref<1x16384xi32, #tpu.memory_space<hbm>> -> memref<16384xi32, #tpu.memory_space<hbm>>
        tpu.wait_dma2 semaphore(%arg9 : memref<!tpu.dma_semaphore, #tpu.memory_space<semaphore_mem>>) src(%dma_wait3A_138 : memref<16384xi32, #tpu.memory_space<hbm>>) dst(%arg6 : memref<16384xi32, #tpu.memory_space<vmem>>)
      } else {
      }
      %convert_element_type3A_48 = arith.extui %lt3A_34 : i1 to i32
      %cond3A_49 = arith.constant 0 : i32
      %cond3A_50 = arith.cmpi ne, %convert_element_type3A_48, %cond3A_49 : i32
      scf.if %cond3A_50 {
        %and3A = arith.constant 31 : i32
        %and3A_127 = arith.andi %add3A_32, %and3A : i32
        %dma_start3A_128 = arith.constant 0 : i32
        %dma_start3A_129 = tpu.memref_slice %arg3[%shift_right_arithmetic3A_35, %and3A_127, %dma_start3A_128] : memref<26x32x100000xf32, #tpu.memory_space<hbm>> -> memref<1x1x100000xf32, #tpu.memory_space<hbm>>
        %dma_start3A_130 = tpu.memref_squeeze %dma_start3A_129 : memref<1x1x100000xf32, #tpu.memory_space<hbm>> -> memref<100000xf32, #tpu.memory_space<hbm>>
        %dma_start3A_131 = arith.constant 0 : i32
        %dma_start3A_132 = tpu.memref_slice %arg3[%shift_right_arithmetic3A_35, %and3A_127, %dma_start3A_131] : memref<26x32x100000xf32, #tpu.memory_space<hbm>> -> memref<1x1x100000xf32, #tpu.memory_space<hbm>>
        %dma_start3A_133 = tpu.memref_squeeze %dma_start3A_132 : memref<1x1x100000xf32, #tpu.memory_space<hbm>> -> memref<100000xf32, #tpu.memory_space<hbm>>
        tpu.enqueue_dma source(%dma_start3A_133 : memref<100000xf32, #tpu.memory_space<hbm>>) target(%arg5 : memref<100000xf32, #tpu.memory_space<vmem>>) target_semaphore(%arg9 : memref<!tpu.dma_semaphore, #tpu.memory_space<semaphore_mem>>)
        %dma_wait3A_134 = arith.constant 0 : i32
        %dma_wait3A_135 = tpu.memref_slice %arg3[%shift_right_arithmetic3A_35, %and3A_127, %dma_wait3A_134] : memref<26x32x100000xf32, #tpu.memory_space<hbm>> -> memref<1x1x100000xf32, #tpu.memory_space<hbm>>
        %dma_wait3A_136 = tpu.memref_squeeze %dma_wait3A_135 : memref<1x1x100000xf32, #tpu.memory_space<hbm>> -> memref<100000xf32, #tpu.memory_space<hbm>>
        %dma_wait3A_137 = arith.constant 0 : i32
        %dma_wait3A_138 = tpu.memref_slice %arg3[%shift_right_arithmetic3A_35, %and3A_127, %dma_wait3A_137] : memref<26x32x100000xf32, #tpu.memory_space<hbm>> -> memref<1x1x100000xf32, #tpu.memory_space<hbm>>
        %dma_wait3A_139 = tpu.memref_squeeze %dma_wait3A_138 : memref<1x1x100000xf32, #tpu.memory_space<hbm>> -> memref<100000xf32, #tpu.memory_space<hbm>>
        tpu.wait_dma2 semaphore(%arg9 : memref<!tpu.dma_semaphore, #tpu.memory_space<semaphore_mem>>) src(%dma_wait3A_139 : memref<100000xf32, #tpu.memory_space<hbm>>) dst(%arg5 : memref<100000xf32, #tpu.memory_space<vmem>>)
      } else {
      }
      %gt3A = arith.constant 0 : i32
      %gt3A_51 = arith.cmpi sgt, %while3A_31, %gt3A : i32
      %convert_element_type3A_52 = arith.extui %gt3A_51 : i1 to i32
      %cond3A_53 = arith.constant 0 : i32
      %cond3A_54 = arith.cmpi ne, %convert_element_type3A_52, %cond3A_53 : i32
      scf.if %cond3A_54 {
        %dma_wait3A_127 = arith.constant 0 : i32
        %dma_wait3A_128 = tpu.memref_slice %arg4[%add3A_32, %dma_wait3A_127] : memref<845x16384xf32, #tpu.memory_space<hbm>> -> memref<1x4096xf32, #tpu.memory_space<hbm>>
        %dma_wait3A_129 = tpu.memref_squeeze %dma_wait3A_128 : memref<1x4096xf32, #tpu.memory_space<hbm>> -> memref<4096xf32, #tpu.memory_space<hbm>>
        %dma_wait3A_130 = arith.constant 0 : i32
        %dma_wait3A_131 = tpu.memref_slice %arg4[%add3A_32, %dma_wait3A_130] : memref<845x16384xf32, #tpu.memory_space<hbm>> -> memref<1x4096xf32, #tpu.memory_space<hbm>>
        %dma_wait3A_132 = tpu.memref_squeeze %dma_wait3A_131 : memref<1x4096xf32, #tpu.memory_space<hbm>> -> memref<4096xf32, #tpu.memory_space<hbm>>
        tpu.wait_dma2 semaphore(%arg10 : memref<!tpu.dma_semaphore, #tpu.memory_space<semaphore_mem>>) src(%arg7 : memref<4096xf32, #tpu.memory_space<vmem>>) dst(%dma_wait3A_132 : memref<4096xf32, #tpu.memory_space<hbm>>)
      } else {
      }
      %convert_element_type3A_55 = arith.extui %lt3A_34 : i1 to i32
      %cond3A_56 = arith.constant 0 : i32
      %cond3A_57 = arith.cmpi ne, %convert_element_type3A_55, %cond3A_56 : i32
      scf.if %cond3A_57 {
        %scan3A = arith.constant 0 : i32
        %scan3A_127 = arith.constant 0 : i32
        %scan3A_128 = arith.constant 256 : i32
        %scan3A_129 = arith.addi %scan3A_127, %scan3A_128 : i32
        %scan3A_130 = arith.constant 1 : i32
        scf.for %scan3A_132 = %scan3A_127 to %scan3A_129 step %scan3A_130  : i32 {
          %mul3A_133 = arith.constant 16 : i32
          %mul3A_134 = arith.muli %scan3A_132, %mul3A_133 : i32
          %add3A_135 = arith.constant 0 : i32
          %add3A_136 = arith.addi %add3A_135, %mul3A_134 : i32
          %get3A = arith.index_cast %add3A_136 : i32 to index
          %get3A_137 = tpu.vector_load %arg6[%get3A] {strides = array<i32>} : memref<16384xi32, #tpu.memory_space<vmem>>, vector<16xi32>,
          %gather3A = tpu.vector_load_idx %arg5[%get3A_137] : memref<100000xf32, #tpu.memory_space<vmem>>[vector<16xi32>], vector<16xf32>,
          %mul3A_138 = arith.constant 16 : i32
          %mul3A_139 = arith.muli %scan3A_132, %mul3A_138 : i32
          %swap3A = arith.index_cast %mul3A_139 : i32 to index
          %swap3A_140 = tpu.vector_load %arg7[%swap3A] {strides = array<i32>} : memref<4096xf32, #tpu.memory_space<vmem>>, vector<16xf32>,
          tpu.vector_store %arg7[%swap3A], %gather3A {strides = array<i32>} : memref<4096xf32, #tpu.memory_space<vmem>>, vector<16xf32>,
        }
        %scan3A_131 = arith.constant 256 : i32
      } else {
      }
      %not3A_58 = arith.constant true
      %not3A_59 = arith.xori %lt3A_34, %not3A_58 : i1
      %convert_element_type3A_60 = arith.extui %not3A_59 : i1 to i32
      %cond3A_61 = arith.constant 0 : i32
      %cond3A_62 = arith.cmpi ne, %convert_element_type3A_60, %cond3A_61 : i32
      scf.if %cond3A_62 {
        %scan3A = arith.constant 0 : i32
        %scan3A_127 = arith.constant 0 : i32
        %scan3A_128 = arith.constant 256 : i32
        %scan3A_129 = arith.addi %scan3A_127, %scan3A_128 : i32
        %scan3A_130 = arith.constant 1 : i32
        scf.for %scan3A_132 = %scan3A_127 to %scan3A_129 step %scan3A_130  : i32 {
          %mul3A_133 = arith.constant 16 : i32
          %mul3A_134 = arith.muli %scan3A_132, %mul3A_133 : i32
          %add3A_135 = arith.constant 0 : i32
          %add3A_136 = arith.addi %add3A_135, %mul3A_134 : i32
          %get3A = arith.index_cast %add3A_136 : i32 to index
          %get3A_137 = tpu.vector_load %arg6[%get3A] {strides = array<i32>} : memref<16384xi32, #tpu.memory_space<vmem>>, vector<16xi32>,
          %convert_element_type3A_138 = arith.sitofp %get3A_137 : vector<16xi32> to vector<16xf32>
          %mul3A_139 = arith.constant 16 : i32
          %mul3A_140 = arith.muli %scan3A_132, %mul3A_139 : i32
          %swap3A = arith.index_cast %mul3A_140 : i32 to index
          %swap3A_141 = tpu.vector_load %arg7[%swap3A] {strides = array<i32>} : memref<4096xf32, #tpu.memory_space<vmem>>, vector<16xf32>,
          tpu.vector_store %arg7[%swap3A], %convert_element_type3A_138 {strides = array<i32>} : memref<4096xf32, #tpu.memory_space<vmem>>, vector<16xf32>,
        }
        %scan3A_131 = arith.constant 256 : i32
      } else {
      }
      %dma_start3A = arith.constant 0 : i32
      %dma_start3A_63 = tpu.memref_slice %arg4[%add3A_32, %dma_start3A] : memref<845x16384xf32, #tpu.memory_space<hbm>> -> memref<1x4096xf32, #tpu.memory_space<hbm>>
      %dma_start3A_64 = tpu.memref_squeeze %dma_start3A_63 : memref<1x4096xf32, #tpu.memory_space<hbm>> -> memref<4096xf32, #tpu.memory_space<hbm>>
      %dma_start3A_65 = arith.constant 0 : i32
      %dma_start3A_66 = tpu.memref_slice %arg4[%add3A_32, %dma_start3A_65] : memref<845x16384xf32, #tpu.memory_space<hbm>> -> memref<1x4096xf32, #tpu.memory_space<hbm>>
      %dma_start3A_67 = tpu.memref_squeeze %dma_start3A_66 : memref<1x4096xf32, #tpu.memory_space<hbm>> -> memref<4096xf32, #tpu.memory_space<hbm>>
      tpu.enqueue_dma source(%arg7 : memref<4096xf32, #tpu.memory_space<vmem>>) target(%dma_start3A_67 : memref<4096xf32, #tpu.memory_space<hbm>>) target_semaphore(%arg10 : memref<!tpu.dma_semaphore, #tpu.memory_space<semaphore_mem>>)
      %gt3A_68 = arith.constant 0 : i32
      %gt3A_69 = arith.cmpi sgt, %while3A_31, %gt3A_68 : i32
      %convert_element_type3A_70 = arith.extui %gt3A_69 : i1 to i32
      %cond3A_71 = arith.constant 0 : i32
      %cond3A_72 = arith.cmpi ne, %convert_element_type3A_70, %cond3A_71 : i32
      scf.if %cond3A_72 {
        %dma_wait3A_127 = arith.constant 4096 : i32
        %dma_wait3A_128 = tpu.memref_slice %arg4[%add3A_32, %dma_wait3A_127] : memref<845x16384xf32, #tpu.memory_space<hbm>> -> memref<1x4096xf32, #tpu.memory_space<hbm>>
        %dma_wait3A_129 = tpu.memref_squeeze %dma_wait3A_128 : memref<1x4096xf32, #tpu.memory_space<hbm>> -> memref<4096xf32, #tpu.memory_space<hbm>>
        %dma_wait3A_130 = arith.constant 4096 : i32
        %dma_wait3A_131 = tpu.memref_slice %arg4[%add3A_32, %dma_wait3A_130] : memref<845x16384xf32, #tpu.memory_space<hbm>> -> memref<1x4096xf32, #tpu.memory_space<hbm>>
        %dma_wait3A_132 = tpu.memref_squeeze %dma_wait3A_131 : memref<1x4096xf32, #tpu.memory_space<hbm>> -> memref<4096xf32, #tpu.memory_space<hbm>>
        tpu.wait_dma2 semaphore(%arg11 : memref<!tpu.dma_semaphore, #tpu.memory_space<semaphore_mem>>) src(%arg8 : memref<4096xf32, #tpu.memory_space<vmem>>) dst(%dma_wait3A_132 : memref<4096xf32, #tpu.memory_space<hbm>>)
      } else {
      }
      %convert_element_type3A_73 = arith.extui %lt3A_34 : i1 to i32
      %cond3A_74 = arith.constant 0 : i32
      %cond3A_75 = arith.cmpi ne, %convert_element_type3A_73, %cond3A_74 : i32
      scf.if %cond3A_75 {
        %scan3A = arith.constant 0 : i32
        %scan3A_127 = arith.constant 0 : i32
        %scan3A_128 = arith.constant 256 : i32
        %scan3A_129 = arith.addi %scan3A_127, %scan3A_128 : i32
        %scan3A_130 = arith.constant 1 : i32
        scf.for %scan3A_132 = %scan3A_127 to %scan3A_129 step %scan3A_130  : i32 {
          %mul3A_133 = arith.constant 16 : i32
          %mul3A_134 = arith.muli %scan3A_132, %mul3A_133 : i32
          %add3A_135 = arith.constant 4096 : i32
          %add3A_136 = arith.addi %add3A_135, %mul3A_134 : i32
          %get3A = arith.index_cast %add3A_136 : i32 to index
          %get3A_137 = tpu.vector_load %arg6[%get3A] {strides = array<i32>} : memref<16384xi32, #tpu.memory_space<vmem>>, vector<16xi32>,
          %gather3A = tpu.vector_load_idx %arg5[%get3A_137] : memref<100000xf32, #tpu.memory_space<vmem>>[vector<16xi32>], vector<16xf32>,
          %mul3A_138 = arith.constant 16 : i32
          %mul3A_139 = arith.muli %scan3A_132, %mul3A_138 : i32
          %swap3A = arith.index_cast %mul3A_139 : i32 to index
          %swap3A_140 = tpu.vector_load %arg8[%swap3A] {strides = array<i32>} : memref<4096xf32, #tpu.memory_space<vmem>>, vector<16xf32>,
          tpu.vector_store %arg8[%swap3A], %gather3A {strides = array<i32>} : memref<4096xf32, #tpu.memory_space<vmem>>, vector<16xf32>,
        }
        %scan3A_131 = arith.constant 256 : i32
      } else {
      }
      %not3A_76 = arith.constant true
      %not3A_77 = arith.xori %lt3A_34, %not3A_76 : i1
      %convert_element_type3A_78 = arith.extui %not3A_77 : i1 to i32
      %cond3A_79 = arith.constant 0 : i32
      %cond3A_80 = arith.cmpi ne, %convert_element_type3A_78, %cond3A_79 : i32
      scf.if %cond3A_80 {
        %scan3A = arith.constant 0 : i32
        %scan3A_127 = arith.constant 0 : i32
        %scan3A_128 = arith.constant 256 : i32
        %scan3A_129 = arith.addi %scan3A_127, %scan3A_128 : i32
        %scan3A_130 = arith.constant 1 : i32
        scf.for %scan3A_132 = %scan3A_127 to %scan3A_129 step %scan3A_130  : i32 {
          %mul3A_133 = arith.constant 16 : i32
          %mul3A_134 = arith.muli %scan3A_132, %mul3A_133 : i32
          %add3A_135 = arith.constant 4096 : i32
          %add3A_136 = arith.addi %add3A_135, %mul3A_134 : i32
          %get3A = arith.index_cast %add3A_136 : i32 to index
          %get3A_137 = tpu.vector_load %arg6[%get3A] {strides = array<i32>} : memref<16384xi32, #tpu.memory_space<vmem>>, vector<16xi32>,
          %convert_element_type3A_138 = arith.sitofp %get3A_137 : vector<16xi32> to vector<16xf32>
          %mul3A_139 = arith.constant 16 : i32
          %mul3A_140 = arith.muli %scan3A_132, %mul3A_139 : i32
          %swap3A = arith.index_cast %mul3A_140 : i32 to index
          %swap3A_141 = tpu.vector_load %arg8[%swap3A] {strides = array<i32>} : memref<4096xf32, #tpu.memory_space<vmem>>, vector<16xf32>,
          tpu.vector_store %arg8[%swap3A], %convert_element_type3A_138 {strides = array<i32>} : memref<4096xf32, #tpu.memory_space<vmem>>, vector<16xf32>,
        }
        %scan3A_131 = arith.constant 256 : i32
      } else {
      }
      %dma_start3A_81 = arith.constant 4096 : i32
      %dma_start3A_82 = tpu.memref_slice %arg4[%add3A_32, %dma_start3A_81] : memref<845x16384xf32, #tpu.memory_space<hbm>> -> memref<1x4096xf32, #tpu.memory_space<hbm>>
      %dma_start3A_83 = tpu.memref_squeeze %dma_start3A_82 : memref<1x4096xf32, #tpu.memory_space<hbm>> -> memref<4096xf32, #tpu.memory_space<hbm>>
      %dma_start3A_84 = arith.constant 4096 : i32
      %dma_start3A_85 = tpu.memref_slice %arg4[%add3A_32, %dma_start3A_84] : memref<845x16384xf32, #tpu.memory_space<hbm>> -> memref<1x4096xf32, #tpu.memory_space<hbm>>
      %dma_start3A_86 = tpu.memref_squeeze %dma_start3A_85 : memref<1x4096xf32, #tpu.memory_space<hbm>> -> memref<4096xf32, #tpu.memory_space<hbm>>
      tpu.enqueue_dma source(%arg8 : memref<4096xf32, #tpu.memory_space<vmem>>) target(%dma_start3A_86 : memref<4096xf32, #tpu.memory_space<hbm>>) target_semaphore(%arg11 : memref<!tpu.dma_semaphore, #tpu.memory_space<semaphore_mem>>)
      %dma_wait3A_87 = arith.constant 8192 : i32
      %dma_wait3A_88 = tpu.memref_slice %arg4[%add3A_32, %dma_wait3A_87] : memref<845x16384xf32, #tpu.memory_space<hbm>> -> memref<1x4096xf32, #tpu.memory_space<hbm>>
      %dma_wait3A_89 = tpu.memref_squeeze %dma_wait3A_88 : memref<1x4096xf32, #tpu.memory_space<hbm>> -> memref<4096xf32, #tpu.memory_space<hbm>>
      %dma_wait3A_90 = arith.constant 8192 : i32
      %dma_wait3A_91 = tpu.memref_slice %arg4[%add3A_32, %dma_wait3A_90] : memref<845x16384xf32, #tpu.memory_space<hbm>> -> memref<1x4096xf32, #tpu.memory_space<hbm>>
      %dma_wait3A_92 = tpu.memref_squeeze %dma_wait3A_91 : memref<1x4096xf32, #tpu.memory_space<hbm>> -> memref<4096xf32, #tpu.memory_space<hbm>>
      tpu.wait_dma2 semaphore(%arg10 : memref<!tpu.dma_semaphore, #tpu.memory_space<semaphore_mem>>) src(%arg7 : memref<4096xf32, #tpu.memory_space<vmem>>) dst(%dma_wait3A_92 : memref<4096xf32, #tpu.memory_space<hbm>>)
      %convert_element_type3A_93 = arith.extui %lt3A_34 : i1 to i32
      %cond3A_94 = arith.constant 0 : i32
      %cond3A_95 = arith.cmpi ne, %convert_element_type3A_93, %cond3A_94 : i32
      scf.if %cond3A_95 {
        %scan3A = arith.constant 0 : i32
        %scan3A_127 = arith.constant 0 : i32
        %scan3A_128 = arith.constant 256 : i32
        %scan3A_129 = arith.addi %scan3A_127, %scan3A_128 : i32
        %scan3A_130 = arith.constant 1 : i32
        scf.for %scan3A_132 = %scan3A_127 to %scan3A_129 step %scan3A_130  : i32 {
          %mul3A_133 = arith.constant 16 : i32
          %mul3A_134 = arith.muli %scan3A_132, %mul3A_133 : i32
          %add3A_135 = arith.constant 8192 : i32
          %add3A_136 = arith.addi %add3A_135, %mul3A_134 : i32
          %get3A = arith.index_cast %add3A_136 : i32 to index
          %get3A_137 = tpu.vector_load %arg6[%get3A] {strides = array<i32>} : memref<16384xi32, #tpu.memory_space<vmem>>, vector<16xi32>,
          %gather3A = tpu.vector_load_idx %arg5[%get3A_137] : memref<100000xf32, #tpu.memory_space<vmem>>[vector<16xi32>], vector<16xf32>,
          %mul3A_138 = arith.constant 16 : i32
          %mul3A_139 = arith.muli %scan3A_132, %mul3A_138 : i32
          %swap3A = arith.index_cast %mul3A_139 : i32 to index
          %swap3A_140 = tpu.vector_load %arg7[%swap3A] {strides = array<i32>} : memref<4096xf32, #tpu.memory_space<vmem>>, vector<16xf32>,
          tpu.vector_store %arg7[%swap3A], %gather3A {strides = array<i32>} : memref<4096xf32, #tpu.memory_space<vmem>>, vector<16xf32>,
        }
        %scan3A_131 = arith.constant 256 : i32
      } else {
      }
      %not3A_96 = arith.constant true
      %not3A_97 = arith.xori %lt3A_34, %not3A_96 : i1
      %convert_element_type3A_98 = arith.extui %not3A_97 : i1 to i32
      %cond3A_99 = arith.constant 0 : i32
      %cond3A_100 = arith.cmpi ne, %convert_element_type3A_98, %cond3A_99 : i32
      scf.if %cond3A_100 {
        %scan3A = arith.constant 0 : i32
        %scan3A_127 = arith.constant 0 : i32
        %scan3A_128 = arith.constant 256 : i32
        %scan3A_129 = arith.addi %scan3A_127, %scan3A_128 : i32
        %scan3A_130 = arith.constant 1 : i32
        scf.for %scan3A_132 = %scan3A_127 to %scan3A_129 step %scan3A_130  : i32 {
          %mul3A_133 = arith.constant 16 : i32
          %mul3A_134 = arith.muli %scan3A_132, %mul3A_133 : i32
          %add3A_135 = arith.constant 8192 : i32
          %add3A_136 = arith.addi %add3A_135, %mul3A_134 : i32
          %get3A = arith.index_cast %add3A_136 : i32 to index
          %get3A_137 = tpu.vector_load %arg6[%get3A] {strides = array<i32>} : memref<16384xi32, #tpu.memory_space<vmem>>, vector<16xi32>,
          %convert_element_type3A_138 = arith.sitofp %get3A_137 : vector<16xi32> to vector<16xf32>
          %mul3A_139 = arith.constant 16 : i32
          %mul3A_140 = arith.muli %scan3A_132, %mul3A_139 : i32
          %swap3A = arith.index_cast %mul3A_140 : i32 to index
          %swap3A_141 = tpu.vector_load %arg7[%swap3A] {strides = array<i32>} : memref<4096xf32, #tpu.memory_space<vmem>>, vector<16xf32>,
          tpu.vector_store %arg7[%swap3A], %convert_element_type3A_138 {strides = array<i32>} : memref<4096xf32, #tpu.memory_space<vmem>>, vector<16xf32>,
        }
        %scan3A_131 = arith.constant 256 : i32
      } else {
      }
      %dma_start3A_101 = arith.constant 8192 : i32
      %dma_start3A_102 = tpu.memref_slice %arg4[%add3A_32, %dma_start3A_101] : memref<845x16384xf32, #tpu.memory_space<hbm>> -> memref<1x4096xf32, #tpu.memory_space<hbm>>
      %dma_start3A_103 = tpu.memref_squeeze %dma_start3A_102 : memref<1x4096xf32, #tpu.memory_space<hbm>> -> memref<4096xf32, #tpu.memory_space<hbm>>
      %dma_start3A_104 = arith.constant 8192 : i32
      %dma_start3A_105 = tpu.memref_slice %arg4[%add3A_32, %dma_start3A_104] : memref<845x16384xf32, #tpu.memory_space<hbm>> -> memref<1x4096xf32, #tpu.memory_space<hbm>>
      %dma_start3A_106 = tpu.memref_squeeze %dma_start3A_105 : memref<1x4096xf32, #tpu.memory_space<hbm>> -> memref<4096xf32, #tpu.memory_space<hbm>>
      tpu.enqueue_dma source(%arg7 : memref<4096xf32, #tpu.memory_space<vmem>>) target(%dma_start3A_106 : memref<4096xf32, #tpu.memory_space<hbm>>) target_semaphore(%arg10 : memref<!tpu.dma_semaphore, #tpu.memory_space<semaphore_mem>>)
      %dma_wait3A_107 = arith.constant 12288 : i32
      %dma_wait3A_108 = tpu.memref_slice %arg4[%add3A_32, %dma_wait3A_107] : memref<845x16384xf32, #tpu.memory_space<hbm>> -> memref<1x4096xf32, #tpu.memory_space<hbm>>
      %dma_wait3A_109 = tpu.memref_squeeze %dma_wait3A_108 : memref<1x4096xf32, #tpu.memory_space<hbm>> -> memref<4096xf32, #tpu.memory_space<hbm>>
      %dma_wait3A_110 = arith.constant 12288 : i32
      %dma_wait3A_111 = tpu.memref_slice %arg4[%add3A_32, %dma_wait3A_110] : memref<845x16384xf32, #tpu.memory_space<hbm>> -> memref<1x4096xf32, #tpu.memory_space<hbm>>
      %dma_wait3A_112 = tpu.memref_squeeze %dma_wait3A_111 : memref<1x4096xf32, #tpu.memory_space<hbm>> -> memref<4096xf32, #tpu.memory_space<hbm>>
      tpu.wait_dma2 semaphore(%arg11 : memref<!tpu.dma_semaphore, #tpu.memory_space<semaphore_mem>>) src(%arg8 : memref<4096xf32, #tpu.memory_space<vmem>>) dst(%dma_wait3A_112 : memref<4096xf32, #tpu.memory_space<hbm>>)
      %convert_element_type3A_113 = arith.extui %lt3A_34 : i1 to i32
      %cond3A_114 = arith.constant 0 : i32
      %cond3A_115 = arith.cmpi ne, %convert_element_type3A_113, %cond3A_114 : i32
      scf.if %cond3A_115 {
        %scan3A = arith.constant 0 : i32
        %scan3A_127 = arith.constant 0 : i32
        %scan3A_128 = arith.constant 256 : i32
        %scan3A_129 = arith.addi %scan3A_127, %scan3A_128 : i32
        %scan3A_130 = arith.constant 1 : i32
        scf.for %scan3A_132 = %scan3A_127 to %scan3A_129 step %scan3A_130  : i32 {
          %mul3A_133 = arith.constant 16 : i32
          %mul3A_134 = arith.muli %scan3A_132, %mul3A_133 : i32
          %add3A_135 = arith.constant 12288 : i32
          %add3A_136 = arith.addi %add3A_135, %mul3A_134 : i32
          %get3A = arith.index_cast %add3A_136 : i32 to index
          %get3A_137 = tpu.vector_load %arg6[%get3A] {strides = array<i32>} : memref<16384xi32, #tpu.memory_space<vmem>>, vector<16xi32>,
          %gather3A = tpu.vector_load_idx %arg5[%get3A_137] : memref<100000xf32, #tpu.memory_space<vmem>>[vector<16xi32>], vector<16xf32>,
          %mul3A_138 = arith.constant 16 : i32
          %mul3A_139 = arith.muli %scan3A_132, %mul3A_138 : i32
          %swap3A = arith.index_cast %mul3A_139 : i32 to index
          %swap3A_140 = tpu.vector_load %arg8[%swap3A] {strides = array<i32>} : memref<4096xf32, #tpu.memory_space<vmem>>, vector<16xf32>,
          tpu.vector_store %arg8[%swap3A], %gather3A {strides = array<i32>} : memref<4096xf32, #tpu.memory_space<vmem>>, vector<16xf32>,
        }
        %scan3A_131 = arith.constant 256 : i32
      } else {
      }
      %not3A_116 = arith.constant true
      %not3A_117 = arith.xori %lt3A_34, %not3A_116 : i1
      %convert_element_type3A_118 = arith.extui %not3A_117 : i1 to i32
      %cond3A_119 = arith.constant 0 : i32
      %cond3A_120 = arith.cmpi ne, %convert_element_type3A_118, %cond3A_119 : i32
      scf.if %cond3A_120 {
        %scan3A = arith.constant 0 : i32
        %scan3A_127 = arith.constant 0 : i32
        %scan3A_128 = arith.constant 256 : i32
        %scan3A_129 = arith.addi %scan3A_127, %scan3A_128 : i32
        %scan3A_130 = arith.constant 1 : i32
        scf.for %scan3A_132 = %scan3A_127 to %scan3A_129 step %scan3A_130  : i32 {
          %mul3A_133 = arith.constant 16 : i32
          %mul3A_134 = arith.muli %scan3A_132, %mul3A_133 : i32
          %add3A_135 = arith.constant 12288 : i32
          %add3A_136 = arith.addi %add3A_135, %mul3A_134 : i32
          %get3A = arith.index_cast %add3A_136 : i32 to index
          %get3A_137 = tpu.vector_load %arg6[%get3A] {strides = array<i32>} : memref<16384xi32, #tpu.memory_space<vmem>>, vector<16xi32>,
          %convert_element_type3A_138 = arith.sitofp %get3A_137 : vector<16xi32> to vector<16xf32>
          %mul3A_139 = arith.constant 16 : i32
          %mul3A_140 = arith.muli %scan3A_132, %mul3A_139 : i32
          %swap3A = arith.index_cast %mul3A_140 : i32 to index
          %swap3A_141 = tpu.vector_load %arg8[%swap3A] {strides = array<i32>} : memref<4096xf32, #tpu.memory_space<vmem>>, vector<16xf32>,
          tpu.vector_store %arg8[%swap3A], %convert_element_type3A_138 {strides = array<i32>} : memref<4096xf32, #tpu.memory_space<vmem>>, vector<16xf32>,
        }
        %scan3A_131 = arith.constant 256 : i32
      } else {
      }
      %dma_start3A_121 = arith.constant 12288 : i32
      %dma_start3A_122 = tpu.memref_slice %arg4[%add3A_32, %dma_start3A_121] : memref<845x16384xf32, #tpu.memory_space<hbm>> -> memref<1x4096xf32, #tpu.memory_space<hbm>>
      %dma_start3A_123 = tpu.memref_squeeze %dma_start3A_122 : memref<1x4096xf32, #tpu.memory_space<hbm>> -> memref<4096xf32, #tpu.memory_space<hbm>>
      %dma_start3A_124 = arith.constant 12288 : i32
      %dma_start3A_125 = tpu.memref_slice %arg4[%add3A_32, %dma_start3A_124] : memref<845x16384xf32, #tpu.memory_space<hbm>> -> memref<1x4096xf32, #tpu.memory_space<hbm>>
      %dma_start3A_126 = tpu.memref_squeeze %dma_start3A_125 : memref<1x4096xf32, #tpu.memory_space<hbm>> -> memref<4096xf32, #tpu.memory_space<hbm>>
      tpu.enqueue_dma source(%arg8 : memref<4096xf32, #tpu.memory_space<vmem>>) target(%dma_start3A_126 : memref<4096xf32, #tpu.memory_space<hbm>>) target_semaphore(%arg11 : memref<!tpu.dma_semaphore, #tpu.memory_space<semaphore_mem>>)
    }
    %add3A_18 = arith.addi %add3A_4, %add3A_8 : i32
    %sub3A = arith.constant 1 : i32
    %sub3A_19 = arith.subi %add3A_18, %sub3A : i32
    %dma_wait3A = arith.constant 8192 : i32
    %dma_wait3A_20 = tpu.memref_slice %arg4[%sub3A_19, %dma_wait3A] : memref<845x16384xf32, #tpu.memory_space<hbm>> -> memref<1x4096xf32, #tpu.memory_space<hbm>>
    %dma_wait3A_21 = tpu.memref_squeeze %dma_wait3A_20 : memref<1x4096xf32, #tpu.memory_space<hbm>> -> memref<4096xf32, #tpu.memory_space<hbm>>
    %dma_wait3A_22 = arith.constant 8192 : i32
    %dma_wait3A_23 = tpu.memref_slice %arg4[%sub3A_19, %dma_wait3A_22] : memref<845x16384xf32, #tpu.memory_space<hbm>> -> memref<1x4096xf32, #tpu.memory_space<hbm>>
    %dma_wait3A_24 = tpu.memref_squeeze %dma_wait3A_23 : memref<1x4096xf32, #tpu.memory_space<hbm>> -> memref<4096xf32, #tpu.memory_space<hbm>>
    tpu.wait_dma2 semaphore(%arg10 : memref<!tpu.dma_semaphore, #tpu.memory_space<semaphore_mem>>) src(%arg7 : memref<4096xf32, #tpu.memory_space<vmem>>) dst(%dma_wait3A_24 : memref<4096xf32, #tpu.memory_space<hbm>>)
    %dma_wait3A_25 = arith.constant 12288 : i32
    %dma_wait3A_26 = tpu.memref_slice %arg4[%sub3A_19, %dma_wait3A_25] : memref<845x16384xf32, #tpu.memory_space<hbm>> -> memref<1x4096xf32, #tpu.memory_space<hbm>>
    %dma_wait3A_27 = tpu.memref_squeeze %dma_wait3A_26 : memref<1x4096xf32, #tpu.memory_space<hbm>> -> memref<4096xf32, #tpu.memory_space<hbm>>
    %dma_wait3A_28 = arith.constant 12288 : i32
    %dma_wait3A_29 = tpu.memref_slice %arg4[%sub3A_19, %dma_wait3A_28] : memref<845x16384xf32, #tpu.memory_space<hbm>> -> memref<1x4096xf32, #tpu.memory_space<hbm>>
    %dma_wait3A_30 = tpu.memref_squeeze %dma_wait3A_29 : memref<1x4096xf32, #tpu.memory_space<hbm>> -> memref<4096xf32, #tpu.memory_space<hbm>>
    tpu.wait_dma2 semaphore(%arg11 : memref<!tpu.dma_semaphore, #tpu.memory_space<semaphore_mem>>) src(%arg8 : memref<4096xf32, #tpu.memory_space<vmem>>) dst(%dma_wait3A_30 : memref<4096xf32, #tpu.memory_space<hbm>>)
    return
  }
}

</mosaic_0001>

<sc_bundles>
// kernel: _emb_call.3.cloned.1.call-start
scs
__scs_entry_jumppad:
0x0: {  	(pc) =	sbr.rel $0x88, $3  }
0x1: {  	(tag) =	ssettag $0x0;
	lr =	simm.s32 $0x1  }
0x2: {  	[smem:$0x3F9F] =	sst lr;
	_ =	strace $0xD0000000  }
0x3: {  	_ = 	snop  }
0x4: {  	_ = 	snop  }
0x5: {  	_ = 	snop  }
0x6: {  	_ = 	snop  }
0x7: {  	_ = 	snop  }
__scs_overlays_trampoline_lowered:
0x8: {  	[smem:$0x3FAE] =	sst s0  }
0x9: {  	[smem:$0x3FAF] =	sst s1  }
0xa: {  	[smem:$0x3FB0] =	sst s2  }
0xb: {  	[smem:$0x3FB1] =	sst s3  }
0xc: {  	[smem:$0x3FB2] =	sst s4  }
0xd: {  	[smem:$0x3FB3] =	sst s5  }
0xe: {  	[smem:$0x3FB4] =	sst s6  }
0xf: {  	[smem:$0x3FB5] =	sst s7  }
0x10: {  	[smem:$0x3FB6] =	sst s8  }
0x11: {  	[smem:$0x3FB7] =	sst s9;
	s0 =	simm.s32 @!p0 $0x0  }
0x12: {  	s1 =	sld [smem:$0x3F9D];
	s0 =	simm.s32 @p0 $0x1  }
0x13: {  	[smem:$0x3FB8] =	sst s0;
	s0 =	simm.s32 @!p1 $0x0  }
0x14: {  	s2 =	sld [smem:$0x3F9C];
	s0 =	simm.s32 @p1 $0x1  }
0x15: {  	[smem:$0x3FB9] =	sst s0;
	s0 =	simm.s32 @!p2 $0x0  }
0x16: {  	s3 =	sld [smem:$0x3FDB];
	s0 =	simm.s32 @p2 $0x1  }
0x17: {  	s4 =	simm.s32 $0x1BF5;
	[smem:$0x3FBB] =	sst s0  }
0x18: {  	s0 =	sld [smem:$0x3F9E];
	_ =	swait.ge [sflag:s4], $0x0  }
0x19: {  	s7 =	sld [smem:$0x3F9F]  }
0x1a: {  	s8 =	sadd.s32 $0xFFFFE003, lr  }
0x1b: {  	s9 =	sadd.s32 $0xFFFFFEF7, lr;
	s5 =	simm.s32 $0xFFFFFFFF;
	p2 =	slt.u32 s8, $0xFFFFF086  }
0x1c: {  	p1 =	slt.u32 s9, $0xF7A;
	s5 =	simm.s32 @!p2 $0x0  }
0x1d: {  	s5 =	simm.s32 @p1 $0x1;
	p0 =	seq.s32 s7, s2  }
0x1e: {  	s7 =	smul.u32 @!p0 $0xF7A, s2;
	p2 =	seq.s32 @!p0 s5, $0x0  }
0x1f: {  	s9 =	smul.u32 $0xF7A, s1;
	s8 =	simm.s32 @!p0 $0x1BF5;
	p2 =	por !p2, p0  }
0x20: {  	[sflag:s8] =	ssyncset.s32 @!p0 $0xFFFFF086;
	s6 =	sadd.s32 @!p0 s3, s7;
	s7 =	simm.s32 @!p0 $0x108  }
0x21: {  	s3 =	sadd.s32 s3, s9;
	s6 =	sadd.s32 @!p0 $0x88, s6;
	s7 =	simm.s32 @p2 $0x1082  }
0x22: {  	[simem:s7], [sflag:s8] =	dma.local @!p0 [hbm:s6], $0xF7A  }
0x23: {  	s9 =	sor.u32 $0xD0000000, s2;
	s6 =	simm.s32 $0x108;
	_ =	swait.ge @!p0 [sflag:s8], $0x0  }
0x24: {  	s3 =	sadd.s32 $0x88, s3;
	s6 =	simm.s32 @!p1 $0x1082;
	[sflag:s4] =	ssyncset.s32 $0xFFFFF086  }
0x25: {  	[simem:s6], [sflag:s4] =	dma.local [hbm:s3], $0xF7A  }
0x26: {  	[smem:$0x3F9F] =	sst s1;
	(tag) =	ssettag s2;
	_ =	strace s9  }
0x27: {  	s1 =	sld [smem:$0x3FAF]  }
0x28: {  	s2 =	sld [smem:$0x3FB0]  }
0x29: {  	s4 =	sld [smem:$0x3FB2]  }
0x2a: {  	p0 =	seq.s32 s5, $0x0;
	s5 =	sld [smem:$0x3FB3]  }
0x2b: {  	s6 =	sld [smem:$0x3FB4]  }
0x2c: {  	s7 =	sld [smem:$0x3FB5]  }
0x2d: {  	s3 =	simm.s32 $0x108;
	s8 =	sld [smem:$0x3FB6]  }
0x2e: {  	s3 =	simm.s32 @!p0 $0x1082;
	s9 =	sld [smem:$0x3FB7]  }
0x2f: {  	lr =	sadd.s32 s0, s3;
	s0 =	sld [smem:$0x3FAE]  }
0x30: {  	s3 =	sld [smem:$0x3FB1]  }
0x31: {  	[smem:$0x3FBA] =	sst s10  }
0x32: {  	s10 =	sld [smem:$0x3FB8];
	_ =	sdelay $0x3  }
0x33: {  	p0 =	seq.s32 s10, $0x1;
	s10 =	sld [smem:$0x3FBA];
	_ =	sdelay $0x3  }
0x34: {  	[smem:$0x3FBA] =	sst s10  }
0x35: {  	s10 =	sld [smem:$0x3FB9];
	_ =	sdelay $0x3  }
0x36: {  	p1 =	seq.s32 s10, $0x1;
	s10 =	sld [smem:$0x3FBA];
	_ =	sdelay $0x3  }
0x37: {  	[smem:$0x3FBA] =	sst s10  }
0x38: {  	s10 =	sld [smem:$0x3FBB]  }
0x39: {  	_ = 	snop;
	(pc) =	sbr.ind lr, $3  }
0x3a: {  	_ = 	snop  }
0x3b: {  	_ = 	snop  }
0x3c: {  	p2 =	seq.s32 s10, $0x1;
	s10 =	sld [smem:$0x3FBA]  }
0x3d: {  	_ =	shalt  }
0x3e: {  	_ =	shalt  }
0x3f: {  	_ =	shalt  }
0x40: {  	_ =	shalt  }
0x41: {  	_ =	shalt  }
0x42: {  	_ =	shalt  }
0x43: {  	_ =	shalt  }
0x44: {  	_ =	shalt  }
0x45: {  	_ =	shalt  }
0x46: {  	_ =	shalt  }
0x47: {  	_ =	shalt  }
0x48: {  	_ =	shalt  }
0x49: {  	_ =	shalt  }
0x4a: {  	_ =	shalt  }
0x4b: {  	_ =	shalt  }
0x4c: {  	_ =	shalt  }
0x4d: {  	_ =	shalt  }
0x4e: {  	_ =	shalt  }
0x4f: {  	_ =	shalt  }
0x50: {  	_ =	shalt  }
0x51: {  	_ =	shalt  }
0x52: {  	_ =	shalt  }
0x53: {  	_ =	shalt  }
0x54: {  	_ =	shalt  }
0x55: {  	_ =	shalt  }
0x56: {  	_ =	shalt  }
0x57: {  	_ =	shalt  }
0x58: {  	_ =	shalt  }
0x59: {  	_ =	shalt  }
0x5a: {  	_ =	shalt  }
0x5b: {  	_ =	shalt  }
0x5c: {  	_ =	shalt  }
0x5d: {  	_ =	shalt  }
0x5e: {  	_ =	shalt  }
0x5f: {  	_ =	shalt  }
0x60: {  	_ =	shalt  }
0x61: {  	_ =	shalt  }
0x62: {  	_ =	shalt  }
0x63: {  	_ =	shalt  }
0x64: {  	_ =	shalt  }
0x65: {  	_ =	shalt  }
0x66: {  	_ =	shalt  }
0x67: {  	_ =	shalt  }
0x68: {  	_ =	shalt  }
0x69: {  	_ =	shalt  }
0x6a: {  	_ =	shalt  }
0x6b: {  	_ =	shalt  }
0x6c: {  	_ =	shalt  }
0x6d: {  	_ =	shalt  }
0x6e: {  	_ =	shalt  }
0x6f: {  	_ =	shalt  }
0x70: {  	_ =	shalt  }
0x71: {  	_ =	shalt  }
0x72: {  	_ =	shalt  }
0x73: {  	_ =	shalt  }
0x74: {  	_ =	shalt  }
0x75: {  	_ =	shalt  }
0x76: {  	_ =	shalt  }
0x77: {  	_ =	shalt  }
0x78: {  	_ =	shalt  }
0x79: {  	_ =	shalt  }
0x7a: {  	_ =	shalt  }
0x7b: {  	_ =	shalt  }
0x7c: {  	_ =	shalt  }
0x7d: {  	_ =	shalt  }
0x7e: {  	_ =	shalt  }
0x7f: {  	_ =	shalt  }
0x80: {  	_ =	shalt  }
0x81: {  	_ =	shalt  }
0x82: {  	_ =	shalt  }
0x83: {  	_ =	shalt  }
0x84: {  	_ =	shalt  }
0x85: {  	_ =	shalt  }
0x86: {  	_ =	shalt  }
0x87: {  	_ =	shalt  }
.Lfunc_end0:
.L_simem_size_0:
called_computation_lowered:
.L_overlay_start_0:
0x88: {  	s2 =	sld [smem:$0x3FD9]  }
0x89: {  	s3 =	sld [smem:$0x3FFE];
	_ =	sdelay $0x1  }
0x8a: {  	s1 =	srdreg.scid  }
0x8b: {  	s0 =	sand.u32 $0x1, s1  }
0x8c: {  	s17 =	sshll.u32 s0, $0xA;
	s2 =	sadd.s32 s3, s2  }
0x8d: {  	s2 =	sadd.s32 s2, s17  }
0x8e: {  	[smem:$0x3FC6] =	sst s2  }
0x8f: {  	_ = 	snop  }
0x90: {  	s2 =	sld [smem:$0x3FD0];
	(tm) =	ssettm $0x1  }
0x91: {  	s18 =	sld [smem:$0x3FFB];
	_ =	sdelay $0x3  }
0x92: {  	_ =	strace s18  }
0x93: {  	s3 =	sld [smem:$0x3FFC];
	_ =	sdelay $0x3  }
0x94: {  	_ =	strace s3  }
0x95: {  	s3 =	sld [smem:$0x3FFD];
	_ =	sdelay $0x3  }
0x96: {  	_ =	strace s3  }
0x97: {  	_ =	strace $0x8FFFFFFF  }
0x98: {  	s19 =	sld [smem:$0x3FDB];
	_ =	sdelay $0x1  }
0x99: {  	s4 =	simm.s32 $_scs_section_size  }
0x9a: {  	s5 =	simm.s32 $_size__tile_overlayer_lowered;
	s6 =	simm.s32 $_tile_overlayer_lowered  }
0x9b: {  	s22 =	simm.s32 $0x1BFF;
	s21 =	sshll.u32 s6, $0x1;
	s3 =	sadd.s32 s4, s19  }
0x9c: {  	s7 =	simm.s32 $0x0;
	s20 =	sshll.u32 s5, $0x1;
	s5 =	sadd.s32 s21, s3  }
0x9d: {  	[timem:s7], [sflag:s22] =	dma.local [hbm:s5], s20  }
0x9e: {  	_ =	swait.ge [sflag:s22], s20  }
0x9f: {  	s4 =	ssub.s32 $0x0, s20;
	[sflag:s22] =	ssyncset.done $0x0  }
0xa0: {  	[sflag:s22] =	ssyncadd.s32 s4;
	_ =	sdelay $0x1  }
0xa1: {  	s23 =	simm.s32 $0x1B8B  }
0xa2: {  	_ =	swait.ge [sflag:s23], $0x1  }
0xa3: {  	[sflag:s23] =	ssyncset.done $0x0  }
0xa4: {  	s25 =	simm.s32 $0x1B8E;
	s24 =	sld [smem:$0x3FFE];
	[sflag:s23] =	ssyncadd.s32 $0xFFFFFFFF  }
0xa5: {  	s26 =	simm.s32 $execute0_lowered;
	[smem:$0x3FD2] =	sst s25  }
0xa6: {  	s5 =	sshll.u32 s26, $0x1;
	_ =	strace $0x80000046;
	[dreg:$0x1] =	wrdreg $0xFFFFFFFF  }
0xa7: {  	s28 =	simm.s32 $_size_execute0_lowered;
	s3 =	sadd.s32 s3, s5;
	[dreg:$0x0] =	wrdreg $0x0  }
0xa8: {  	s5 =	sshll.u32 s28, $0x1;
	[dreg:$0x2] =	wrdreg s3  }
0xa9: {  	[dreg:$0x3] =	wrdreg s5  }
0xaa: {  	[dreg:$0x4] =	wrdreg $0xC0  }
0xab: {  	_ =	task [dreg:s7], $0x5FFFF  }
0xac: {  	[dreg:$0x1] =	wrdreg $0xFFFFFFFF  }
0xad: {  	[dreg:$0x0] =	wrdreg $0x60  }
0xae: {  	[dreg:$0x2] =	wrdreg s2  }
0xaf: {  	[dreg:$0x3] =	wrdreg s24  }
0xb0: {  	[dreg:$0x4] =	wrdreg $0x9  }
0xb1: {  	_ =	task.clear_ibuf [dreg:s7], $0x5FFFF;
	_ =	strace $0x90000046  }
0xb2: {  	s29 =	simm.s32 $0x9;
	_ =	strace $0x80000048  }
0xb3: {  	_ =	swait.ge [sflag:s29], $0x1  }
0xb4: {  	[sflag:s29] =	ssyncadd.s32 $0xFFFFFFFF  }
0xb5: {  	_ =	strace $0x90000048  }
0xb6: {  	_ =	sfence  }
0xb7: {  	s30 =	sld [smem:$0x0];
	_ =	sdelay $0x2  }
0xb8: {  	s31 =	sshll.u32 s1, $0xD;
	s1 =	sshrl.u32 s1, $0x2  }
0xb9: {  	s3 =	sand.u32 $0x4000, s31;
	s1 =	sadd.s32 s1, s30  }
0xba: {  	s0 =	sor.u32 s3, s0;
	s1 =	sshll.u32 s1, $0x11  }
0xbb: {  	s0 =	sor.u32 s1, s0  }
0xbc: {  	s0 =	sadd.s32 $0x8F2B, s0  }
0xbd: {  	[sflag:s0] =	ssyncadd.remote.s32 $0x1  }
0xbe: {  	_ =	sfence.sel $0xFFFF  }
0xbf: {  	[dreg:$0x0] =	wrdreg $0xFFFFFFFF;
	(pc) =	sbr.abs _section_cstart, $3  }
0xc0: {  	[dreg:$0x1] =	wrdreg $0xFFFFFFFF  }
0xc1: {  	_ =	task.clear_ibuf [dreg:s7], $0x2FFFF;
	_ =	strace $0x9FFFFFFF  }
0xc2: {  	(tm) =	ssettm $0x7FFFFFFF  }
0xc3: {  	_ =	shalt  }
tec
execute0_lowered:
.L_overlay_start_1:
0x0: {  	(tag) =	ssettag $0x1  }
0x1: {  	s1 =	rddreg [dreg:$0x0]  }
0x2: {  	s10 =	rddreg [dreg:$0x1]  }
0x3: {  	s0 =	rddreg [dreg:$0x2]  }
0x4: {  	s3 =	simm.s32 $0x0;
	s4 =	srdreg.scid;
	s2 =	stileid.u32  }
0x5: {  	s12 =	simm.s32 $0x1;
	s13 =	simm.s32 $0x1C6A0;
	s14 =	simm.s32 $0x1D6A0  }
0x6: {  	s15 =	simm.s32 $0x2;
	s16 =	simm.s32 $0x3;
	s17 =	simm.s32 $0x0  }
0x7: {  	[smem:$0x7FF] =	sst s3;
	s5 =	sand.u32 $0x1, s4;
	s7 =	sshll.u32 s2, $0x1  }
0x8: {  	s4 =	sadd.s32 $0x400, s10;
	_ =	strace $0x80000047;
	s6 =	ssub.s32 $0x2, s5  }
.Ltmp0:
0x9: {  	s7 =	sor.u32 s5, s7;
	s5 =	sadd.s32 $0x9EB600, s10;
	(pc) =	sbr.rel .LBB2_1-.Ltmp0, $4  }
0xa: {  	s8 =	sshrl.u32 s6, $0x1;
	s31 =	smul.u32 $0x1A, s7;
	s9 =	smin.u32 s7, $0xD  }
0xb: {  	p0 =	slt.u32 s7, $0xD;
	s11 =	ssub.s32 s6, s8;
	s6 =	simm.s32 $0x1B  }
0xc: {  	s8 =	sadd.s32 $0x9EB800, s10;
	s7 =	sadd.s32 s9, s31;
	s6 =	simm.s32 @!p0 $0x1A  }
0xd: {  	s9 =	sadd.s32 $0x9EBA00, s10;
	s10 =	sadd.s32 $0x9EBC00, s10;
	s11 =	smax.u32 s11, $0x1  }
.LBB2_31:
0xe: {  	s17 =	sadd.s32 $0x1, s17  }
0xf: {  	_ =	swait.ge [sflag:s15], $0x1000;
	p0 =	sne.s32 s17, s11  }
.Ltmp1:
0x10: {  	[sflag:s15] =	ssyncset.done $0x0;
	(pc) =	sbr.rel @!p0 .LBB2_32-.Ltmp1, $4  }
0x11: {  	[sflag:s15] =	ssyncadd.s32 $0xFFFFF000  }
0x12: {  	_ =	swait.ge [sflag:s16], $0x1000  }
0x13: {  	[sflag:s16] =	ssyncset.done $0x0  }
0x14: {  	[sflag:s16] =	ssyncadd.s32 $0xFFFFF000  }
.LBB2_1:
.Ltmp2:
0x15: {  	(pc) =	sbr.rel .LBB2_2-.Ltmp2, $2  }
0x16: {  	_ =	sdelay $0x2  }
0x17: {  	s18 =	simm.s32 $0x0  }
.LBB2_29:
0x18: {  	v0 =	vcvt.s32.f32 v0;
	_ =	sdelay $0x1  }
0x19: {  	[tilespmem:s20+$0x1D6A0] =	vst v0  }
.LBB2_30:
0x1a: {  	s18 =	sadd.s32 $0x1, s18  }
0x1b: {  	p0 =	sne.s32 s18, s6  }
.Ltmp3:
0x1c: {  	_ = 	snop;
	(pc) =	sbr.rel @!p0 .LBB2_31-.Ltmp3, $3  }
0x1d: {  	_ =	sdelay $0x1  }
0x1e: {  	s19 =	sadd.s32 s19, s10  }
0x1f: {  	[hbm4b:s19+s3] =	stream.linear.scatter [tilespmem:s14], [sflag:$0x3], $0x1000, $0x38;
	[tilespmem:$0x1E6A0] =	vst v63  }
.LBB2_2:
0x20: {  	s19 =	sadd.s32 s18, s7  }
0x21: {  	s20 =	sand.u32 $0x1F, s19  }
0x22: {  	p0 =	seq.s32 s20, $0x0  }
0x23: {  	p1 =	sgt.u32 @!p0 s19, $0x33F  }
0x24: {  	p0 =	por p0, p1  }
0x25: {  	p1 =	sne.s32 @!p0 s18, $0x0  }
0x26: {  	p0 =	por p0, !p1  }
0x27: {  	s21 =	sshrl.u32 s19, $0x5;
	p1 =	slt.u32 @p0 s19, $0x340  }
0x28: {  	s23 =	smov.u32 s21;
	s22 =	sadd.s32 @p0 $0x3FCDA, s19;
	p1 =	por !p1, !p0  }
0x29: {  	s23 =	smov.u32 @p1 s22;
	p1 =	sgt.u32 @p0 s19, $0x33F  }
0x2a: {  	s24 =	simm.s32 @p0 $0x186A0;
	s22 =	sshll.u32 @p0 s23, $0xB;
	p1 =	por !p0, !p1  }
0x2b: {  	s22 =	sand.u32 @p0 $0x1FFFF800, s22;
	s21 =	smul.u32 @p1 $0x30D400, s21  }
0x2c: {  	s23 =	simm.s32 @p0 $0x0;
	s20 =	smul.u32 @p1 $0x186A0, s20;
	s22 =	sadd.s32 @p0 s1, s22  }
0x2d: {  	[tilespmem:s24], [sflag:$0x1] =	stream.linear.gather @p0 [hbm4b:s22+s23], $0x4000, $0x38;
	[tilespmem:$0x1E6A0] =	vst v63  }
0x2e: {  	s22 =	simm.s32 @p0 $0x1  }
0x2f: {  	s20 =	sadd.s32 @p1 s20, s21;
	_ =	swait.ge @p0 [sflag:s22], $0x4000  }
0x30: {  	s20 =	sshrl.u32 @p1 s20, $0x3;
	[sflag:s22] =	ssyncset.done @p0 $0x0  }
0x31: {  	s20 =	sadd.s32 @p1 s4, s20;
	[sflag:s22] =	ssyncadd.s32 @p0 $0xFFFFC000  }
0x32: {  	[tilespmem:s3], [sflag:$0x1] =	stream.linear.gather @p1 [hbm4b:s20+s3], $0x186A0, $0x38;
	[tilespmem:$0x1E6A0] =	vst v63  }
0x33: {  	_ =	swait.ge @p1 [sflag:s12], $0x186A0  }
0x34: {  	p0 =	sgt.u32 s19, $0x33F;
	[sflag:s12] =	ssyncset.done @p1 $0x0  }
.Ltmp4:
0x35: {  	[sflag:s12] =	ssyncadd.s32 @p1 $0xFFFE7960;
	p1 =	seq.s32 s18, $0x0;
	(pc) =	sbr.rel @p0 .LBB2_6-.Ltmp4, $4  }
0x36: {  	s20 =	simm.s32 @!p1 $0x2  }
0x37: {  	_ =	swait.ge @!p1 [sflag:s20], $0x1000  }
0x38: {  	[sflag:s20] =	ssyncset.done @!p1 $0x0  }
0x39: {  	[sflag:s20] =	ssyncadd.s32 @!p1 $0xFFFFF000;
	s20 =	simm.s32 $0x0  }
0x3a: {  	v0 =	vld [tilespmem:s20+$0x186A0];
	_ =	sdelay $0x7  }
0x3b: {  	s21 =	simm.s32 $0x10;
	s22 =	simm.s32 $0x80;
	v0 =	vld.idx.msk [tilespmem:v0+s3+$0x0], $0xffff  }
.LBB2_4:
0x3c: {  	p2 =	seq.s32 s22, $0x3FC0;
	v1 =	vld [tilespmem:s21+$0x186A0];
	_ =	sdelay $0x3  }
.Ltmp5:
0x3d: {  	(pc) =	sbr.rel @!p2 .LBB2_4-.Ltmp5, $2  }
0x3e: {  	[tilespmem:s20+$0x1C6A0] =	vst v0;
	s20 =	smov.u32 s21;
	_ =	sdelay $0x2  }
0x3f: {  	s21 =	sshra.s32 s22, $0x2;
	s22 =	sadd.s32 $0x40, s22;
	v0 =	vld.idx.msk [tilespmem:v1+s3+$0x0], $0xffff  }
0x40: {  	v1 =	vld [tilespmem:s21+$0x186A0];
	_ =	sdelay $0x6  }
0x41: {  	[tilespmem:s20+$0x1C6A0] =	vst v0  }
0x42: {  	v0 =	vld.idx.msk [tilespmem:v1+s3+$0x0], $0xffff  }
.Ltmp6:
0x43: {  	_ = 	snop;
	(pc) =	sbr.rel .LBB2_9-.Ltmp6, $2  }
0x44: {  	_ =	sdelay $0x2  }
0x45: {  	[tilespmem:s21+$0x1C6A0] =	vst v0  }
.LBB2_6:
0x46: {  	v0 =	vld [tilespmem:s20+$0x186A0]  }
0x47: {  	s21 =	simm.s32 $0x40  }
.LBB2_7:
0x48: {  	p2 =	sne.s32 s21, $0x3FC0  }
.Ltmp7:
0x49: {  	_ = 	snop;
	(pc) =	sbr.rel @p2 .LBB2_7-.Ltmp7, $4  }
0x4a: {  	_ = 	snop  }
0x4b: {  	s22 =	sshra.s32 s21, $0x2;
	s21 =	sadd.s32 $0x40, s21;
	v1 =	vcvt.s32.f32 v0  }
0x4c: {  	v0 =	vld [tilespmem:s22+$0x186A0]  }
0x4d: {  	[tilespmem:s20+$0x1C6A0] =	vst v1;
	s20 =	smov.u32 s22  }
0x4e: {  	_ =	sdelay $0x2  }
0x4f: {  	v0 =	vcvt.s32.f32 v0;
	_ =	sdelay $0x1  }
0x50: {  	[tilespmem:s20+$0x1C6A0] =	vst v0  }
.LBB2_9:
0x51: {  	s19 =	sshll.u32 s19, $0xB  }
0x52: {  	s19 =	sand.u32 $0x1FFFF800, s19  }
0x53: {  	s20 =	sadd.s32 s5, s19  }
0x54: {  	[hbm4b:s20+s3] =	stream.linear.scatter [tilespmem:s13], [sflag:$0x2], $0x1000, $0x38;
	[tilespmem:$0x1E6A0] =	vst v63  }
.Ltmp8:
0x55: {  	_ = 	snop;
	(pc) =	sbr.rel @p0 .LBB2_13-.Ltmp8, $4  }
0x56: {  	s20 =	simm.s32 @!p1 $0x3  }
0x57: {  	_ =	swait.ge @!p1 [sflag:s20], $0x1000  }
0x58: {  	[sflag:s20] =	ssyncset.done @!p1 $0x0  }
0x59: {  	[sflag:s20] =	ssyncadd.s32 @!p1 $0xFFFFF000;
	s20 =	simm.s32 $0x0  }
0x5a: {  	v0 =	vld [tilespmem:s20+$0x196A0];
	_ =	sdelay $0x7  }
0x5b: {  	s21 =	simm.s32 $0x10;
	s22 =	simm.s32 $0x80;
	v0 =	vld.idx.msk [tilespmem:v0+s3+$0x0], $0xffff  }
.LBB2_11:
0x5c: {  	p1 =	seq.s32 s22, $0x3FC0;
	v1 =	vld [tilespmem:s21+$0x196A0];
	_ =	sdelay $0x3  }
.Ltmp9:
0x5d: {  	(pc) =	sbr.rel @!p1 .LBB2_11-.Ltmp9, $2  }
0x5e: {  	[tilespmem:s20+$0x1D6A0] =	vst v0;
	s20 =	smov.u32 s21;
	_ =	sdelay $0x2  }
0x5f: {  	s21 =	sshra.s32 s22, $0x2;
	s22 =	sadd.s32 $0x40, s22;
	v0 =	vld.idx.msk [tilespmem:v1+s3+$0x0], $0xffff  }
0x60: {  	v1 =	vld [tilespmem:s21+$0x196A0];
	_ =	sdelay $0x6  }
0x61: {  	[tilespmem:s20+$0x1D6A0] =	vst v0  }
0x62: {  	v0 =	vld.idx.msk [tilespmem:v1+s3+$0x0], $0xffff  }
.Ltmp10:
0x63: {  	_ = 	snop;
	(pc) =	sbr.rel .LBB2_16-.Ltmp10, $2  }
0x64: {  	_ =	sdelay $0x2  }
0x65: {  	[tilespmem:s21+$0x1D6A0] =	vst v0  }
.LBB2_13:
0x66: {  	v0 =	vld [tilespmem:s20+$0x196A0]  }
0x67: {  	s21 =	simm.s32 $0x40  }
.LBB2_14:
0x68: {  	p1 =	sne.s32 s21, $0x3FC0  }
.Ltmp11:
0x69: {  	_ = 	snop;
	(pc) =	sbr.rel @p1 .LBB2_14-.Ltmp11, $4  }
0x6a: {  	_ = 	snop  }
0x6b: {  	s22 =	sshra.s32 s21, $0x2;
	s21 =	sadd.s32 $0x40, s21;
	v1 =	vcvt.s32.f32 v0  }
0x6c: {  	v0 =	vld [tilespmem:s22+$0x196A0]  }
0x6d: {  	[tilespmem:s20+$0x1D6A0] =	vst v1;
	s20 =	smov.u32 s22  }
0x6e: {  	_ =	sdelay $0x2  }
0x6f: {  	v0 =	vcvt.s32.f32 v0;
	_ =	sdelay $0x1  }
0x70: {  	[tilespmem:s20+$0x1D6A0] =	vst v0  }
.LBB2_16:
.Ltmp12:
0x71: {  	s20 =	sadd.s32 s19, s8;
	s21 =	simm.s32 $0x0;
	(pc) =	sbr.rel @p0 .LBB2_20-.Ltmp12, $4  }
0x72: {  	[hbm4b:s20+s21] =	stream.linear.scatter [tilespmem:s14], [sflag:$0x3], $0x1000, $0x38;
	[tilespmem:$0x1E6A0] =	vst v63  }
0x73: {  	_ =	swait.ge [sflag:s15], $0x1000  }
0x74: {  	[sflag:s15] =	ssyncset.done $0x0  }
0x75: {  	s20 =	simm.s32 $0x0;
	[sflag:s15] =	ssyncadd.s32 $0xFFFFF000  }
0x76: {  	v0 =	vld [tilespmem:s20+$0x1A6A0];
	_ =	sdelay $0x7  }
0x77: {  	s21 =	simm.s32 $0x10;
	s22 =	simm.s32 $0x80;
	v0 =	vld.idx.msk [tilespmem:v0+s3+$0x0], $0xffff  }
.LBB2_18:
0x78: {  	p1 =	seq.s32 s22, $0x3FC0;
	v1 =	vld [tilespmem:s21+$0x1A6A0];
	_ =	sdelay $0x3  }
.Ltmp13:
0x79: {  	(pc) =	sbr.rel @!p1 .LBB2_18-.Ltmp13, $2  }
0x7a: {  	[tilespmem:s20+$0x1C6A0] =	vst v0;
	s20 =	smov.u32 s21;
	_ =	sdelay $0x2  }
0x7b: {  	s21 =	sshra.s32 s22, $0x2;
	s22 =	sadd.s32 $0x40, s22;
	v0 =	vld.idx.msk [tilespmem:v1+s3+$0x0], $0xffff  }
0x7c: {  	v1 =	vld [tilespmem:s21+$0x1A6A0];
	_ =	sdelay $0x6  }
0x7d: {  	[tilespmem:s20+$0x1C6A0] =	vst v0  }
0x7e: {  	v0 =	vld.idx.msk [tilespmem:v1+s3+$0x0], $0xffff  }
.Ltmp14:
0x7f: {  	_ = 	snop;
	(pc) =	sbr.rel .LBB2_23-.Ltmp14, $2  }
0x80: {  	_ =	sdelay $0x2  }
0x81: {  	[tilespmem:s21+$0x1C6A0] =	vst v0  }
.LBB2_20:
0x82: {  	v0 =	vld [tilespmem:s20+$0x1A6A0]  }
0x83: {  	s21 =	simm.s32 $0x40  }
.LBB2_21:
0x84: {  	p1 =	sne.s32 s21, $0x3FC0  }
.Ltmp15:
0x85: {  	_ = 	snop;
	(pc) =	sbr.rel @p1 .LBB2_21-.Ltmp15, $4  }
0x86: {  	_ = 	snop  }
0x87: {  	s22 =	sshra.s32 s21, $0x2;
	s21 =	sadd.s32 $0x40, s21;
	v1 =	vcvt.s32.f32 v0  }
0x88: {  	v0 =	vld [tilespmem:s22+$0x1A6A0]  }
0x89: {  	[tilespmem:s20+$0x1C6A0] =	vst v1;
	s20 =	smov.u32 s22  }
0x8a: {  	_ =	sdelay $0x2  }
0x8b: {  	v0 =	vcvt.s32.f32 v0;
	_ =	sdelay $0x1  }
0x8c: {  	[tilespmem:s20+$0x1C6A0] =	vst v0  }
.LBB2_23:
.Ltmp16:
0x8d: {  	s20 =	sadd.s32 s19, s9;
	s21 =	simm.s32 $0x0;
	(pc) =	sbr.rel @p0 .LBB2_27-.Ltmp16, $4  }
0x8e: {  	[hbm4b:s20+s21] =	stream.linear.scatter [tilespmem:s13], [sflag:$0x2], $0x1000, $0x38;
	[tilespmem:$0x1E6A0] =	vst v63  }
0x8f: {  	_ =	swait.ge [sflag:s16], $0x1000  }
0x90: {  	[sflag:s16] =	ssyncset.done $0x0  }
0x91: {  	s20 =	simm.s32 $0x0;
	[sflag:s16] =	ssyncadd.s32 $0xFFFFF000  }
0x92: {  	v0 =	vld [tilespmem:s20+$0x1B6A0];
	_ =	sdelay $0x7  }
0x93: {  	s21 =	simm.s32 $0x10;
	s22 =	simm.s32 $0x80;
	v0 =	vld.idx.msk [tilespmem:v0+s3+$0x0], $0xffff  }
.LBB2_25:
0x94: {  	p0 =	seq.s32 s22, $0x3FC0;
	v1 =	vld [tilespmem:s21+$0x1B6A0];
	_ =	sdelay $0x3  }
.Ltmp17:
0x95: {  	(pc) =	sbr.rel @!p0 .LBB2_25-.Ltmp17, $2  }
0x96: {  	[tilespmem:s20+$0x1D6A0] =	vst v0;
	s20 =	smov.u32 s21;
	_ =	sdelay $0x2  }
0x97: {  	s21 =	sshra.s32 s22, $0x2;
	s22 =	sadd.s32 $0x40, s22;
	v0 =	vld.idx.msk [tilespmem:v1+s3+$0x0], $0xffff  }
0x98: {  	v1 =	vld [tilespmem:s21+$0x1B6A0];
	_ =	sdelay $0x6  }
0x99: {  	[tilespmem:s20+$0x1D6A0] =	vst v0  }
0x9a: {  	v0 =	vld.idx.msk [tilespmem:v1+s3+$0x0], $0xffff  }
.Ltmp18:
0x9b: {  	_ = 	snop;
	(pc) =	sbr.rel .LBB2_30-.Ltmp18, $2  }
0x9c: {  	_ =	sdelay $0x2  }
0x9d: {  	[tilespmem:s21+$0x1D6A0] =	vst v0  }
.LBB2_27:
0x9e: {  	v0 =	vld [tilespmem:s20+$0x1B6A0]  }
0x9f: {  	s21 =	simm.s32 $0x40  }
.LBB2_28:
0xa0: {  	p0 =	sne.s32 s21, $0x3FC0  }
.Ltmp19:
0xa1: {  	_ = 	snop;
	(pc) =	sbr.rel @p0 .LBB2_28-.Ltmp19, $4  }
0xa2: {  	_ = 	snop  }
0xa3: {  	s22 =	sshra.s32 s21, $0x2;
	s21 =	sadd.s32 $0x40, s21;
	v1 =	vcvt.s32.f32 v0  }
0xa4: {  	v0 =	vld [tilespmem:s22+$0x1B6A0]  }
0xa5: {  	[tilespmem:s20+$0x1D6A0] =	vst v1;
	s20 =	smov.u32 s22  }
.Ltmp20:
0xa6: {  	_ = 	snop;
	(pc) =	sbr.rel .LBB2_29-.Ltmp20, $1  }
0xa7: {  	_ =	sdelay $0x3  }
.LBB2_32:
0xa8: {  	_ =	sfence.sel $0x180000  }
0xa9: {  	[bflag:$0x0] =	sbarrier.arrive $0xFFFF  }
0xaa: {  	p0 =	sne.s32 s2, $0x0;
	_ =	strace $0x90000047  }
0xab: {  	s0 =	sadd.s32 @!p0 $0x100000, s0;
	[bflag:$0x2] =	sbarrier.arrive $0xFFFF  }
0xac: {  	[sflag:s0] =	ssyncadd.tile.s32 @!p0 $0x1;
	_ =	shalt  }
.Lfunc_end2:
_tile_overlayer_lowered:
.L_overlay_start_2:
0xad: {  	(tag) =	ssettag $0x2  }
0xae: {  	s0 =	rddreg [dreg:$0x0];
	s2 =	stileid.u32  }
0xaf: {  	s1 =	rddreg [dreg:$0x1];
	p0 =	sne.s32 s2, $0x0  }
0xb0: {  	s3 =	rddreg [dreg:$0x2];
	[bflag:$0x3] =	sbarrier.arrive $0xFFFF;
	s2 =	simm.s32 @!p0 $0x1C04  }
0xb1: {  	[timem:s3], [sflag:s2] =	dma.local @!p0 [hbm:s0], s1  }
0xb2: {  	s0 =	simm.s32 @!p0 $0x4  }
0xb3: {  	_ =	swait.ge @!p0 [sflag:s0], s1  }
0xb4: {  	s1 =	ssub.s32 @!p0 $0x0, s1;
	[sflag:s0] =	ssyncset.done @!p0 $0x0  }
0xb5: {  	[sflag:s0] =	ssyncadd.s32 @!p0 s1  }
0xb6: {  	[bflag:$0x3] =	sbarrier.arrive $0xFFFF  }
0xb7: {  	_ =	shalt  }

</sc_bundles>
